<compile_context>
chip_gen: v7x
topology: tpu7x:2x2x1
jax: 0.10.2.dev20260603
libtpu: 0.0.44.dev20260713+nightly
codegen_flags: <defaults>
</compile_context>

<pallas_src>
import jax
import jax.numpy as jnp
from jax import lax
from jax.experimental import pallas as pl
from jax.experimental.pallas import tpu as pltpu
from jax.experimental.pallas import tpu_sc as plsc

H = 2048
W = 2048
C = 4
PS = 256
NPX = W // PS
OUT_H = 1024
OUT_W = 1024
NPIX = OUT_H * OUT_W

NC = 2
NS = 16
NW = NC * NS

M = W // 2
RW = 4 * 2 * C
P_PER_W = NPIX // NW
B = 1024
NCHUNK = P_PER_W // B
GB = 512
K = B // GB
VL = 16
NV = B // VL


def _body(table, texc, out,
          texc_a, idx_a, off_a, fx_a, fy_a, rows_a, out_a, sem_a,
          texc_b, idx_b, off_b, fx_b, fy_b, rows_b, out_b, sem_b):
    wid = lax.axis_index("s") * NC + lax.axis_index("c")
    lanes = lax.iota(jnp.int32, VL)

    def idx_phase(chunk, texc_v, idx_v, off_v, fx_v, fy_v):
        base_pix = wid * P_PER_W + chunk * B
        pltpu.sync_copy(texc.at[pl.ds(base_pix * 2, 2 * B)], texc_v)

        def idx_body(j, carry):
            b16 = j * VL
            t2 = lanes * 2 + b16 * 2
            u = plsc.load_gather(texc_v, [t2])
            v = plsc.load_gather(texc_v, [t2 + 1])
            uu = u * float(W) - 0.5
            vv = v * float(H) - 0.5
            iut = uu.astype(jnp.int32)
            ivt = vv.astype(jnp.int32)
            ix0 = iut - (uu < iut.astype(jnp.float32)).astype(jnp.int32)
            iy0 = ivt - (vv < ivt.astype(jnp.float32)).astype(jnp.int32)
            fx = uu - ix0.astype(jnp.float32)
            fy = vv - iy0.astype(jnp.float32)
            ixw = ix0 & (W - 1)
            iyw = iy0 & (H - 1)
            rec = iyw * M + (ixw >> 1)
            idx_v[pl.ds(b16, VL)] = rec
            off_v[pl.ds(b16, VL)] = (ixw & 1) * C
            fx_v[pl.ds(b16, VL)] = fx
            fy_v[pl.ds(b16, VL)] = fy
            return carry

        lax.fori_loop(0, NV, idx_body, 0, unroll=False)

    def fire(idx_v, rows_v, sem):
        def fire_k(k, carry):
            pltpu.make_async_copy(
                table.at[idx_v.at[pl.ds(k * GB, GB)]],
                rows_v.at[pl.ds(k * GB, GB)], sem).start()
            return carry

        lax.fori_loop(0, K, fire_k, 0, unroll=False)

    def drain_blend(chunk, idx_v, off_v, fx_v, fy_v, rows_v, out_v, sem):
        base_pix = wid * P_PER_W + chunk * B

        def drain_k(k, carry):
            pltpu.make_async_copy(
                table.at[idx_v.at[pl.ds(k * GB, GB)]],
                rows_v.at[pl.ds(k * GB, GB)], sem).wait()
            return carry

        lax.fori_loop(0, K, drain_k, 0, unroll=False)

        def blend_body(j, carry):
            b16 = j * VL
            pix = lanes + b16
            off = off_v[pl.ds(b16, VL)]
            fx = fx_v[pl.ds(b16, VL)]
            fy = fy_v[pl.ds(b16, VL)]
            gx = 1.0 - fx
            gy = 1.0 - fy
            w00 = gx * gy
            w10 = fx * gy
            w01 = gx * fy
            w11 = fx * fy
            for c in range(C):
                c00 = plsc.load_gather(rows_v, [pix, off + c])
                c10 = plsc.load_gather(rows_v, [pix, off + (C + c)])
                c01 = plsc.load_gather(rows_v, [pix, off + (4 * C + c)])
                c11 = plsc.load_gather(rows_v, [pix, off + (5 * C + c)])
                o = c00 * w00 + c10 * w10 + c01 * w01 + c11 * w11
                cc = lanes * 0 + c
                plsc.store_scatter(out_v, [pix, cc], o)
            return carry

        lax.fori_loop(0, NV, blend_body, 0, unroll=False)
        pltpu.sync_copy(out_v, out.at[pl.ds(base_pix, B)])

    def pair_body(i, carry):
        ca = 2 * i
        cb = 2 * i + 1
        idx_phase(ca, texc_a, idx_a, off_a, fx_a, fy_a)
        fire(idx_a, rows_a, sem_a)
        idx_phase(cb, texc_b, idx_b, off_b, fx_b, fy_b)
        fire(idx_b, rows_b, sem_b)
        drain_blend(ca, idx_a, off_a, fx_a, fy_a, rows_a, out_a, sem_a)
        drain_blend(cb, idx_b, off_b, fx_b, fy_b, rows_b, out_b, sem_b)
        return carry

    lax.fori_loop(0, NCHUNK // 2, pair_body, 0, unroll=False)


@jax.jit
def _sample(table, texc_flat):
    mesh = plsc.VectorSubcoreMesh(core_axis_name="c", subcore_axis_name="s")
    f = pl.kernel(
        _body,
        out_type=jax.ShapeDtypeStruct((NPIX, C), jnp.float32),
        mesh=mesh,
        compiler_params=pltpu.CompilerParams(
            needs_layout_passes=False, use_tc_tiling_on_sc=False),
        scratch_types=[
            pltpu.VMEM((2 * B,), jnp.float32),
            pltpu.VMEM((B,), jnp.int32),
            pltpu.VMEM((B,), jnp.int32),
            pltpu.VMEM((B,), jnp.float32),
            pltpu.VMEM((B,), jnp.float32),
            pltpu.VMEM((B, RW), jnp.float32),
            pltpu.VMEM((B, C), jnp.float32),
            pltpu.SemaphoreType.DMA,
        ] * 2,
    )
    return f(table, texc_flat)


def _build_overlap_table(pages):
    rowtex = (pages.reshape(NPX, NPX, PS, PS, C)
              .transpose(0, 2, 1, 3, 4)
              .reshape(H, W * C))
    rowtex_dn = jnp.roll(rowtex, -1, axis=0)
    a = rowtex.reshape(H, M, 2 * C)
    a2 = jnp.roll(rowtex, -2 * C, axis=1).reshape(H, M, 2 * C)
    b = rowtex_dn.reshape(H, M, 2 * C)
    b2 = jnp.roll(rowtex_dn, -2 * C, axis=1).reshape(H, M, 2 * C)
    return jnp.stack([a, a2, b, b2], axis=2).reshape(H * M, RW)


def kernel(pages, texc):
    table = _build_overlap_table(pages)
    texc_flat = texc.reshape(-1)
    out = _sample(table, texc_flat)
    return out.reshape(1, OUT_H, OUT_W, C)

# --- scband reference (transcript-rebuilt; emitter-appended) ---
"""Pipeline reference for scband-virtual-texture-module-51402168599388 (READ-ONLY COPY).

The authoritative reference and input builder live on the scoring server;
editing this copy changes nothing except your own understanding.
"""

import jax, jax.numpy as jnp
import numpy as np

H = 2048
W = 2048
C = 4
PS = 256
NPX = W // PS  # pages per row = 8, total 64 pages
OUT_H = 1024
OUT_W = 1024


def setup_inputs(seed: int = 0) -> dict:
    key = jax.random.key(seed)
    k1, k2 = jax.random.split(key)
    # pages: stacked page-tiled texture memory [num_pages, page_y, page_x, C]
    pages = jax.random.normal(k1, (NPX * NPX, PS, PS, C), dtype=jnp.float32)
    # texc: UV coords in [0,1), one render target
    texc = jax.random.uniform(k2, (1, OUT_H, OUT_W, 2), dtype=jnp.float32)
    return {"pages": pages, "texc": texc}


def reference(pages, texc):
    # Virtual-texture sample at mip level 0 with bilinear ('linear') filtering
    # and 'wrap' boundary mode, matching VirtualTextureModule.sample semantics
    # when max_mip_level=0. Texels are gathered out of the paged memory
    # (pages[page_idx, ly, lx, :]) exactly as the page cache streams them.
    u = texc[..., 0] * W - 0.5
    v = texc[..., 1] * H - 0.5
    ix0 = jnp.floor(u).astype(jnp.int32)
    iy0 = jnp.floor(v).astype(jnp.int32)
    fx = (u - ix0)[..., None]
    fy = (v - iy0)[..., None]

    def fetch(ix, iy):
        ix = jnp.mod(ix, W)
        iy = jnp.mod(iy, H)
        page_idx = (iy // PS) * NPX + (ix // PS)
        lx = ix % PS
        ly = iy % PS
        return pages[page_idx, ly, lx, :]

    c00 = fetch(ix0, iy0)
    c10 = fetch(ix0 + 1, iy0)
    c01 = fetch(ix0, iy0 + 1)
    c11 = fetch(ix0 + 1, iy0 + 1)
    out = (c00 * (1.0 - fx) + c10 * fx) * (1.0 - fy) + (c01 * (1.0 - fx) + c11 * fx) * fy
    return out

if __name__ == "__main__":
    import jax
    _d = setup_inputs()
    print(jax.jit(kernel)(*tuple(_d.values())))

</pallas_src>

<mosaic_0001>
#map = affine_map<(d0, d1) -> (0, 0)>
#map1 = affine_map<(d0, d1) -> (0)>
module attributes {stable_mosaic.version = 14 : i64} {
  func.func @_body(%arg0: i32, %arg1: i32, %arg2: memref<2097152x32xf32, #tpu.memory_space<hbm>>, %arg3: memref<2097152xf32, #tpu.memory_space<hbm>>, %arg4: memref<1048576x4xf32, #tpu.memory_space<hbm>>, %arg5: memref<2048xf32, #tpu.memory_space<vmem>>, %arg6: memref<1024xi32, #tpu.memory_space<vmem>>, %arg7: memref<1024xi32, #tpu.memory_space<vmem>>, %arg8: memref<1024xf32, #tpu.memory_space<vmem>>, %arg9: memref<1024xf32, #tpu.memory_space<vmem>>, %arg10: memref<1024x32xf32, #tpu.memory_space<vmem>>, %arg11: memref<1024x4xf32, #tpu.memory_space<vmem>>, %arg12: memref<!tpu.dma_semaphore, #tpu.memory_space<semaphore_mem>>, %arg13: memref<2048xf32, #tpu.memory_space<vmem>>, %arg14: memref<1024xi32, #tpu.memory_space<vmem>>, %arg15: memref<1024xi32, #tpu.memory_space<vmem>>, %arg16: memref<1024xf32, #tpu.memory_space<vmem>>, %arg17: memref<1024xf32, #tpu.memory_space<vmem>>, %arg18: memref<1024x32xf32, #tpu.memory_space<vmem>>, %arg19: memref<1024x4xf32, #tpu.memory_space<vmem>>, %arg20: memref<!tpu.dma_semaphore, #tpu.memory_space<semaphore_mem>>) attributes {dimension_semantics = [#tpu.dimension_semantics<core_parallel>, #tpu.dimension_semantics<subcore_parallel>], iteration_bounds = array<i64: 2, 16>, scalar_prefetch = 0 : i64, scratch_operands = 16 : i64, tpu.core_type = #tpu.core_type<sc_vector_subcore>, window_params = [{transform_indices = #map}, {transform_indices = #map1}, {transform_indices = #map}]} {
    %mul3A = arith.constant 2 : i32
    %mul3A_0 = arith.muli %arg1, %mul3A : i32
    %add3A = arith.addi %mul3A_0, %arg0 : i32
    %iota3A = tpu.iota {dimensions = array<i32: 0>} : vector<16xi32>
    %scan3A = arith.constant 0 : i32
    %scan3A_1 = arith.constant 0 : i32
    %scan3A_2 = arith.constant 16 : i32
    %scan3A_3 = arith.addi %scan3A_1, %scan3A_2 : i32
    %scan3A_4 = arith.constant 1 : i32
    scf.for %scan3A_6 = %scan3A_1 to %scan3A_3 step %scan3A_4  : i32 {
      %mul3A_7 = arith.constant 2 : i32
      %mul3A_8 = arith.muli %mul3A_7, %scan3A_6 : i32
      %mul3A_9 = arith.constant 2 : i32
      %mul3A_10 = arith.muli %mul3A_9, %scan3A_6 : i32
      %add3A_11 = arith.constant 1 : i32
      %add3A_12 = arith.addi %mul3A_10, %add3A_11 : i32
      %mul3A_13 = arith.constant 32768 : i32
      %mul3A_14 = arith.muli %add3A, %mul3A_13 : i32
      %mul3A_15 = arith.constant 1024 : i32
      %mul3A_16 = arith.muli %mul3A_8, %mul3A_15 : i32
      %add3A_17 = arith.addi %mul3A_14, %mul3A_16 : i32
      %mul3A_18 = arith.constant 2 : i32
      %mul3A_19 = arith.muli %add3A_17, %mul3A_18 : i32
      "tpu.region"() ({
        %run_scoped3A = tpu.sem_alloc : memref<!tpu.dma_semaphore, #tpu.memory_space<semaphore_mem>>
        %dma_start3A = tpu.memref_slice %arg3[%mul3A_19] : memref<2097152xf32, #tpu.memory_space<hbm>> -> memref<2048xf32, #tpu.memory_space<hbm>>
        %dma_start3A_85 = tpu.memref_slice %arg3[%mul3A_19] : memref<2097152xf32, #tpu.memory_space<hbm>> -> memref<2048xf32, #tpu.memory_space<hbm>>
        tpu.enqueue_dma source(%dma_start3A_85 : memref<2048xf32, #tpu.memory_space<hbm>>) target(%arg5 : memref<2048xf32, #tpu.memory_space<vmem>>) target_semaphore(%run_scoped3A : memref<!tpu.dma_semaphore, #tpu.memory_space<semaphore_mem>>)
        %dma_wait3A = tpu.memref_slice %arg3[%mul3A_19] : memref<2097152xf32, #tpu.memory_space<hbm>> -> memref<2048xf32, #tpu.memory_space<hbm>>
        %dma_wait3A_86 = tpu.memref_slice %arg3[%mul3A_19] : memref<2097152xf32, #tpu.memory_space<hbm>> -> memref<2048xf32, #tpu.memory_space<hbm>>
        tpu.wait_dma2 semaphore(%run_scoped3A : memref<!tpu.dma_semaphore, #tpu.memory_space<semaphore_mem>>) src(%dma_wait3A_86 : memref<2048xf32, #tpu.memory_space<hbm>>) dst(%arg5 : memref<2048xf32, #tpu.memory_space<vmem>>)
        tpu.yield
      }) : () -> ()
      %scan3A_20 = arith.constant 0 : i32
      %scan3A_21 = arith.constant 0 : i32
      %scan3A_22 = arith.constant 64 : i32
      %scan3A_23 = arith.addi %scan3A_21, %scan3A_22 : i32
      %scan3A_24 = arith.constant 1 : i32
      scf.for %scan3A_85 = %scan3A_21 to %scan3A_23 step %scan3A_24  : i32 {
        %mul3A_86 = arith.constant 16 : i32
        %mul3A_87 = arith.muli %scan3A_85, %mul3A_86 : i32
        %mul3A_88 = arith.constant 2 : i32
        %mul3A_89 = vector.broadcast %mul3A_88 : i32 to vector<16xi32>
        %mul3A_90 = arith.muli %iota3A, %mul3A_89 : vector<16xi32>
        %mul3A_91 = arith.constant 2 : i32
        %mul3A_92 = arith.muli %mul3A_87, %mul3A_91 : i32
        %add3A_93 = vector.broadcast %mul3A_92 : i32 to vector<16xi32>
        %add3A_94 = arith.addi %mul3A_90, %add3A_93 : vector<16xi32>
        %gather3A = tpu.vector_load_idx %arg5[%add3A_94] : memref<2048xf32, #tpu.memory_space<vmem>>[vector<16xi32>], vector<16xf32>,
        %add3A_95 = arith.constant 1 : i32
        %add3A_96 = vector.broadcast %add3A_95 : i32 to vector<16xi32>
        %add3A_97 = arith.addi %add3A_94, %add3A_96 : vector<16xi32>
        %gather3A_98 = tpu.vector_load_idx %arg5[%add3A_97] : memref<2048xf32, #tpu.memory_space<vmem>>[vector<16xi32>], vector<16xf32>,
        %mul3A_99 = arith.constant 2.048000e+03 : f32
        %mul3A_100 = vector.broadcast %mul3A_99 : f32 to vector<16xf32>
        %mul3A_101 = arith.mulf %gather3A, %mul3A_100 : vector<16xf32>
        %sub3A = arith.constant 5.000000e-01 : f32
        %sub3A_102 = vector.broadcast %sub3A : f32 to vector<16xf32>
        %sub3A_103 = arith.subf %mul3A_101, %sub3A_102 : vector<16xf32>
        %mul3A_104 = arith.constant 2.048000e+03 : f32
        %mul3A_105 = vector.broadcast %mul3A_104 : f32 to vector<16xf32>
        %mul3A_106 = arith.mulf %gather3A_98, %mul3A_105 : vector<16xf32>
        %sub3A_107 = arith.constant 5.000000e-01 : f32
        %sub3A_108 = vector.broadcast %sub3A_107 : f32 to vector<16xf32>
        %sub3A_109 = arith.subf %mul3A_106, %sub3A_108 : vector<16xf32>
        %convert_element_type3A = arith.fptosi %sub3A_103 : vector<16xf32> to vector<16xi32>
        %convert_element_type3A_110 = arith.fptosi %sub3A_109 : vector<16xf32> to vector<16xi32>
        %convert_element_type3A_111 = arith.sitofp %convert_element_type3A : vector<16xi32> to vector<16xf32>
        %lt3A = arith.cmpf olt, %sub3A_103, %convert_element_type3A_111 : vector<16xf32>
        %convert_element_type3A_112 = arith.extui %lt3A : vector<16xi1> to vector<16xi32>
        %sub3A_113 = arith.subi %convert_element_type3A, %convert_element_type3A_112 : vector<16xi32>
        %convert_element_type3A_114 = arith.sitofp %convert_element_type3A_110 : vector<16xi32> to vector<16xf32>
        %lt3A_115 = arith.cmpf olt, %sub3A_109, %convert_element_type3A_114 : vector<16xf32>
        %convert_element_type3A_116 = arith.extui %lt3A_115 : vector<16xi1> to vector<16xi32>
        %sub3A_117 = arith.subi %convert_element_type3A_110, %convert_element_type3A_116 : vector<16xi32>
        %convert_element_type3A_118 = arith.sitofp %sub3A_113 : vector<16xi32> to vector<16xf32>
        %sub3A_119 = arith.subf %sub3A_103, %convert_element_type3A_118 : vector<16xf32>
        %convert_element_type3A_120 = arith.sitofp %sub3A_117 : vector<16xi32> to vector<16xf32>
        %sub3A_121 = arith.subf %sub3A_109, %convert_element_type3A_120 : vector<16xf32>
        %and3A = arith.constant 2047 : i32
        %and3A_122 = vector.broadcast %and3A : i32 to vector<16xi32>
        %and3A_123 = arith.andi %sub3A_113, %and3A_122 : vector<16xi32>
        %and3A_124 = arith.constant 2047 : i32
        %and3A_125 = vector.broadcast %and3A_124 : i32 to vector<16xi32>
        %and3A_126 = arith.andi %sub3A_117, %and3A_125 : vector<16xi32>
        %mul3A_127 = arith.constant 1024 : i32
        %mul3A_128 = vector.broadcast %mul3A_127 : i32 to vector<16xi32>
        %mul3A_129 = arith.muli %and3A_126, %mul3A_128 : vector<16xi32>
        %shift_right_arithmetic3A = arith.constant 1 : i32
        %shift_right_arithmetic3A_130 = vector.broadcast %shift_right_arithmetic3A : i32 to vector<16xi32>
        %shift_right_arithmetic3A_131 = arith.shrsi %and3A_123, %shift_right_arithmetic3A_130 : vector<16xi32>
        %add3A_132 = arith.addi %mul3A_129, %shift_right_arithmetic3A_131 : vector<16xi32>
        %swap3A = arith.index_cast %mul3A_87 : i32 to index
        %swap3A_133 = tpu.vector_load %arg6[%swap3A] {strides = array<i32>} : memref<1024xi32, #tpu.memory_space<vmem>>, vector<16xi32>,
        tpu.vector_store %arg6[%swap3A], %add3A_132 {strides = array<i32>} : memref<1024xi32, #tpu.memory_space<vmem>>, vector<16xi32>,
        %and3A_134 = arith.constant 1 : i32
        %and3A_135 = vector.broadcast %and3A_134 : i32 to vector<16xi32>
        %and3A_136 = arith.andi %and3A_123, %and3A_135 : vector<16xi32>
        %mul3A_137 = arith.constant 4 : i32
        %mul3A_138 = vector.broadcast %mul3A_137 : i32 to vector<16xi32>
        %mul3A_139 = arith.muli %and3A_136, %mul3A_138 : vector<16xi32>
        %swap3A_140 = arith.index_cast %mul3A_87 : i32 to index
        %swap3A_141 = tpu.vector_load %arg7[%swap3A_140] {strides = array<i32>} : memref<1024xi32, #tpu.memory_space<vmem>>, vector<16xi32>,
        tpu.vector_store %arg7[%swap3A_140], %mul3A_139 {strides = array<i32>} : memref<1024xi32, #tpu.memory_space<vmem>>, vector<16xi32>,
        %swap3A_142 = arith.index_cast %mul3A_87 : i32 to index
        %swap3A_143 = tpu.vector_load %arg8[%swap3A_142] {strides = array<i32>} : memref<1024xf32, #tpu.memory_space<vmem>>, vector<16xf32>,
        tpu.vector_store %arg8[%swap3A_142], %sub3A_119 {strides = array<i32>} : memref<1024xf32, #tpu.memory_space<vmem>>, vector<16xf32>,
        %swap3A_144 = arith.index_cast %mul3A_87 : i32 to index
        %swap3A_145 = tpu.vector_load %arg9[%swap3A_144] {strides = array<i32>} : memref<1024xf32, #tpu.memory_space<vmem>>, vector<16xf32>,
        tpu.vector_store %arg9[%swap3A_144], %sub3A_121 {strides = array<i32>} : memref<1024xf32, #tpu.memory_space<vmem>>, vector<16xf32>,
      }
      %scan3A_25 = arith.constant 64 : i32
      %scan3A_26 = arith.constant 0 : i32
      %scan3A_27 = arith.constant 0 : i32
      %scan3A_28 = arith.constant 2 : i32
      %scan3A_29 = arith.addi %scan3A_27, %scan3A_28 : i32
      %scan3A_30 = arith.constant 1 : i32
      scf.for %scan3A_85 = %scan3A_27 to %scan3A_29 step %scan3A_30  : i32 {
        %mul3A_86 = arith.constant 512 : i32
        %mul3A_87 = arith.muli %scan3A_85, %mul3A_86 : i32
        %mul3A_88 = arith.constant 512 : i32
        %mul3A_89 = arith.muli %scan3A_85, %mul3A_88 : i32
        %dma_start3A = arith.constant 0 : i32
        %dma_start3A_90 = tpu.memref_slice %arg10[%mul3A_89, %dma_start3A] : memref<1024x32xf32, #tpu.memory_space<vmem>> -> memref<512x32xf32, #tpu.memory_space<vmem>>
        %dma_start3A_91 = tpu.memref_slice %arg6[%mul3A_87] : memref<1024xi32, #tpu.memory_space<vmem>> -> memref<512xi32, #tpu.memory_space<vmem>>
        %dma_start3A_92 = arith.constant 0 : i32
        %dma_start3A_93 = arith.constant 0 : i32
        %dma_start3A_94 = tpu.memref_slice %arg2[%dma_start3A_92, %dma_start3A_93] : memref<2097152x32xf32, #tpu.memory_space<hbm>> -> memref<2097152x32xf32, #tpu.memory_space<hbm>>
        tpu.enqueue_indirect_dma source(%dma_start3A_94 : memref<2097152x32xf32, #tpu.memory_space<hbm>>) target(%dma_start3A_90 : memref<512x32xf32, #tpu.memory_space<vmem>>) offsets(%dma_start3A_91 : memref<512xi32, #tpu.memory_space<vmem>>) semaphore(%arg12 : memref<!tpu.dma_semaphore, #tpu.memory_space<semaphore_mem>>)
      }
      %scan3A_31 = arith.constant 2 : i32
      %mul3A_32 = arith.constant 32768 : i32
      %mul3A_33 = arith.muli %add3A, %mul3A_32 : i32
      %mul3A_34 = arith.constant 1024 : i32
      %mul3A_35 = arith.muli %add3A_12, %mul3A_34 : i32
      %add3A_36 = arith.addi %mul3A_33, %mul3A_35 : i32
      %mul3A_37 = arith.constant 2 : i32
      %mul3A_38 = arith.muli %add3A_36, %mul3A_37 : i32
      "tpu.region"() ({
        %run_scoped3A = tpu.sem_alloc : memref<!tpu.dma_semaphore, #tpu.memory_space<semaphore_mem>>
        %dma_start3A = tpu.memref_slice %arg3[%mul3A_38] : memref<2097152xf32, #tpu.memory_space<hbm>> -> memref<2048xf32, #tpu.memory_space<hbm>>
        %dma_start3A_85 = tpu.memref_slice %arg3[%mul3A_38] : memref<2097152xf32, #tpu.memory_space<hbm>> -> memref<2048xf32, #tpu.memory_space<hbm>>
        tpu.enqueue_dma source(%dma_start3A_85 : memref<2048xf32, #tpu.memory_space<hbm>>) target(%arg13 : memref<2048xf32, #tpu.memory_space<vmem>>) target_semaphore(%run_scoped3A : memref<!tpu.dma_semaphore, #tpu.memory_space<semaphore_mem>>)
        %dma_wait3A = tpu.memref_slice %arg3[%mul3A_38] : memref<2097152xf32, #tpu.memory_space<hbm>> -> memref<2048xf32, #tpu.memory_space<hbm>>
        %dma_wait3A_86 = tpu.memref_slice %arg3[%mul3A_38] : memref<2097152xf32, #tpu.memory_space<hbm>> -> memref<2048xf32, #tpu.memory_space<hbm>>
        tpu.wait_dma2 semaphore(%run_scoped3A : memref<!tpu.dma_semaphore, #tpu.memory_space<semaphore_mem>>) src(%dma_wait3A_86 : memref<2048xf32, #tpu.memory_space<hbm>>) dst(%arg13 : memref<2048xf32, #tpu.memory_space<vmem>>)
        tpu.yield
      }) : () -> ()
      %scan3A_39 = arith.constant 0 : i32
      %scan3A_40 = arith.constant 0 : i32
      %scan3A_41 = arith.constant 64 : i32
      %scan3A_42 = arith.addi %scan3A_40, %scan3A_41 : i32
      %scan3A_43 = arith.constant 1 : i32
      scf.for %scan3A_85 = %scan3A_40 to %scan3A_42 step %scan3A_43  : i32 {
        %mul3A_86 = arith.constant 16 : i32
        %mul3A_87 = arith.muli %scan3A_85, %mul3A_86 : i32
        %mul3A_88 = arith.constant 2 : i32
        %mul3A_89 = vector.broadcast %mul3A_88 : i32 to vector<16xi32>
        %mul3A_90 = arith.muli %iota3A, %mul3A_89 : vector<16xi32>
        %mul3A_91 = arith.constant 2 : i32
        %mul3A_92 = arith.muli %mul3A_87, %mul3A_91 : i32
        %add3A_93 = vector.broadcast %mul3A_92 : i32 to vector<16xi32>
        %add3A_94 = arith.addi %mul3A_90, %add3A_93 : vector<16xi32>
        %gather3A = tpu.vector_load_idx %arg13[%add3A_94] : memref<2048xf32, #tpu.memory_space<vmem>>[vector<16xi32>], vector<16xf32>,
        %add3A_95 = arith.constant 1 : i32
        %add3A_96 = vector.broadcast %add3A_95 : i32 to vector<16xi32>
        %add3A_97 = arith.addi %add3A_94, %add3A_96 : vector<16xi32>
        %gather3A_98 = tpu.vector_load_idx %arg13[%add3A_97] : memref<2048xf32, #tpu.memory_space<vmem>>[vector<16xi32>], vector<16xf32>,
        %mul3A_99 = arith.constant 2.048000e+03 : f32
        %mul3A_100 = vector.broadcast %mul3A_99 : f32 to vector<16xf32>
        %mul3A_101 = arith.mulf %gather3A, %mul3A_100 : vector<16xf32>
        %sub3A = arith.constant 5.000000e-01 : f32
        %sub3A_102 = vector.broadcast %sub3A : f32 to vector<16xf32>
        %sub3A_103 = arith.subf %mul3A_101, %sub3A_102 : vector<16xf32>
        %mul3A_104 = arith.constant 2.048000e+03 : f32
        %mul3A_105 = vector.broadcast %mul3A_104 : f32 to vector<16xf32>
        %mul3A_106 = arith.mulf %gather3A_98, %mul3A_105 : vector<16xf32>
        %sub3A_107 = arith.constant 5.000000e-01 : f32
        %sub3A_108 = vector.broadcast %sub3A_107 : f32 to vector<16xf32>
        %sub3A_109 = arith.subf %mul3A_106, %sub3A_108 : vector<16xf32>
        %convert_element_type3A = arith.fptosi %sub3A_103 : vector<16xf32> to vector<16xi32>
        %convert_element_type3A_110 = arith.fptosi %sub3A_109 : vector<16xf32> to vector<16xi32>
        %convert_element_type3A_111 = arith.sitofp %convert_element_type3A : vector<16xi32> to vector<16xf32>
        %lt3A = arith.cmpf olt, %sub3A_103, %convert_element_type3A_111 : vector<16xf32>
        %convert_element_type3A_112 = arith.extui %lt3A : vector<16xi1> to vector<16xi32>
        %sub3A_113 = arith.subi %convert_element_type3A, %convert_element_type3A_112 : vector<16xi32>
        %convert_element_type3A_114 = arith.sitofp %convert_element_type3A_110 : vector<16xi32> to vector<16xf32>
        %lt3A_115 = arith.cmpf olt, %sub3A_109, %convert_element_type3A_114 : vector<16xf32>
        %convert_element_type3A_116 = arith.extui %lt3A_115 : vector<16xi1> to vector<16xi32>
        %sub3A_117 = arith.subi %convert_element_type3A_110, %convert_element_type3A_116 : vector<16xi32>
        %convert_element_type3A_118 = arith.sitofp %sub3A_113 : vector<16xi32> to vector<16xf32>
        %sub3A_119 = arith.subf %sub3A_103, %convert_element_type3A_118 : vector<16xf32>
        %convert_element_type3A_120 = arith.sitofp %sub3A_117 : vector<16xi32> to vector<16xf32>
        %sub3A_121 = arith.subf %sub3A_109, %convert_element_type3A_120 : vector<16xf32>
        %and3A = arith.constant 2047 : i32
        %and3A_122 = vector.broadcast %and3A : i32 to vector<16xi32>
        %and3A_123 = arith.andi %sub3A_113, %and3A_122 : vector<16xi32>
        %and3A_124 = arith.constant 2047 : i32
        %and3A_125 = vector.broadcast %and3A_124 : i32 to vector<16xi32>
        %and3A_126 = arith.andi %sub3A_117, %and3A_125 : vector<16xi32>
        %mul3A_127 = arith.constant 1024 : i32
        %mul3A_128 = vector.broadcast %mul3A_127 : i32 to vector<16xi32>
        %mul3A_129 = arith.muli %and3A_126, %mul3A_128 : vector<16xi32>
        %shift_right_arithmetic3A = arith.constant 1 : i32
        %shift_right_arithmetic3A_130 = vector.broadcast %shift_right_arithmetic3A : i32 to vector<16xi32>
        %shift_right_arithmetic3A_131 = arith.shrsi %and3A_123, %shift_right_arithmetic3A_130 : vector<16xi32>
        %add3A_132 = arith.addi %mul3A_129, %shift_right_arithmetic3A_131 : vector<16xi32>
        %swap3A = arith.index_cast %mul3A_87 : i32 to index
        %swap3A_133 = tpu.vector_load %arg14[%swap3A] {strides = array<i32>} : memref<1024xi32, #tpu.memory_space<vmem>>, vector<16xi32>,
        tpu.vector_store %arg14[%swap3A], %add3A_132 {strides = array<i32>} : memref<1024xi32, #tpu.memory_space<vmem>>, vector<16xi32>,
        %and3A_134 = arith.constant 1 : i32
        %and3A_135 = vector.broadcast %and3A_134 : i32 to vector<16xi32>
        %and3A_136 = arith.andi %and3A_123, %and3A_135 : vector<16xi32>
        %mul3A_137 = arith.constant 4 : i32
        %mul3A_138 = vector.broadcast %mul3A_137 : i32 to vector<16xi32>
        %mul3A_139 = arith.muli %and3A_136, %mul3A_138 : vector<16xi32>
        %swap3A_140 = arith.index_cast %mul3A_87 : i32 to index
        %swap3A_141 = tpu.vector_load %arg15[%swap3A_140] {strides = array<i32>} : memref<1024xi32, #tpu.memory_space<vmem>>, vector<16xi32>,
        tpu.vector_store %arg15[%swap3A_140], %mul3A_139 {strides = array<i32>} : memref<1024xi32, #tpu.memory_space<vmem>>, vector<16xi32>,
        %swap3A_142 = arith.index_cast %mul3A_87 : i32 to index
        %swap3A_143 = tpu.vector_load %arg16[%swap3A_142] {strides = array<i32>} : memref<1024xf32, #tpu.memory_space<vmem>>, vector<16xf32>,
        tpu.vector_store %arg16[%swap3A_142], %sub3A_119 {strides = array<i32>} : memref<1024xf32, #tpu.memory_space<vmem>>, vector<16xf32>,
        %swap3A_144 = arith.index_cast %mul3A_87 : i32 to index
        %swap3A_145 = tpu.vector_load %arg17[%swap3A_144] {strides = array<i32>} : memref<1024xf32, #tpu.memory_space<vmem>>, vector<16xf32>,
        tpu.vector_store %arg17[%swap3A_144], %sub3A_121 {strides = array<i32>} : memref<1024xf32, #tpu.memory_space<vmem>>, vector<16xf32>,
      }
      %scan3A_44 = arith.constant 64 : i32
      %scan3A_45 = arith.constant 0 : i32
      %scan3A_46 = arith.constant 0 : i32
      %scan3A_47 = arith.constant 2 : i32
      %scan3A_48 = arith.addi %scan3A_46, %scan3A_47 : i32
      %scan3A_49 = arith.constant 1 : i32
      scf.for %scan3A_85 = %scan3A_46 to %scan3A_48 step %scan3A_49  : i32 {
        %mul3A_86 = arith.constant 512 : i32
        %mul3A_87 = arith.muli %scan3A_85, %mul3A_86 : i32
        %mul3A_88 = arith.constant 512 : i32
        %mul3A_89 = arith.muli %scan3A_85, %mul3A_88 : i32
        %dma_start3A = arith.constant 0 : i32
        %dma_start3A_90 = tpu.memref_slice %arg18[%mul3A_89, %dma_start3A] : memref<1024x32xf32, #tpu.memory_space<vmem>> -> memref<512x32xf32, #tpu.memory_space<vmem>>
        %dma_start3A_91 = tpu.memref_slice %arg14[%mul3A_87] : memref<1024xi32, #tpu.memory_space<vmem>> -> memref<512xi32, #tpu.memory_space<vmem>>
        %dma_start3A_92 = arith.constant 0 : i32
        %dma_start3A_93 = arith.constant 0 : i32
        %dma_start3A_94 = tpu.memref_slice %arg2[%dma_start3A_92, %dma_start3A_93] : memref<2097152x32xf32, #tpu.memory_space<hbm>> -> memref<2097152x32xf32, #tpu.memory_space<hbm>>
        tpu.enqueue_indirect_dma source(%dma_start3A_94 : memref<2097152x32xf32, #tpu.memory_space<hbm>>) target(%dma_start3A_90 : memref<512x32xf32, #tpu.memory_space<vmem>>) offsets(%dma_start3A_91 : memref<512xi32, #tpu.memory_space<vmem>>) semaphore(%arg20 : memref<!tpu.dma_semaphore, #tpu.memory_space<semaphore_mem>>)
      }
      %scan3A_50 = arith.constant 2 : i32
      %mul3A_51 = arith.constant 32768 : i32
      %mul3A_52 = arith.muli %add3A, %mul3A_51 : i32
      %mul3A_53 = arith.constant 1024 : i32
      %mul3A_54 = arith.muli %mul3A_8, %mul3A_53 : i32
      %add3A_55 = arith.addi %mul3A_52, %mul3A_54 : i32
      %scan3A_56 = arith.constant 0 : i32
      %scan3A_57 = arith.constant 0 : i32
      %scan3A_58 = arith.constant 2 : i32
      %scan3A_59 = arith.addi %scan3A_57, %scan3A_58 : i32
      %scan3A_60 = arith.constant 1 : i32
      scf.for %scan3A_85 = %scan3A_57 to %scan3A_59 step %scan3A_60  : i32 {
        %mul3A_86 = arith.constant 512 : i32
        %mul3A_87 = arith.muli %scan3A_85, %mul3A_86 : i32
        %mul3A_88 = arith.constant 512 : i32
        %mul3A_89 = arith.muli %scan3A_85, %mul3A_88 : i32
        %dma_wait3A = arith.constant 0 : i32
        %dma_wait3A_90 = tpu.memref_slice %arg10[%mul3A_89, %dma_wait3A] : memref<1024x32xf32, #tpu.memory_space<vmem>> -> memref<512x32xf32, #tpu.memory_space<vmem>>
        %dma_wait3A_91 = tpu.memref_slice %arg6[%mul3A_87] : memref<1024xi32, #tpu.memory_space<vmem>> -> memref<512xi32, #tpu.memory_space<vmem>>
        %dma_wait3A_92 = arith.constant 0 : i32
        %dma_wait3A_93 = arith.constant 0 : i32
        %dma_wait3A_94 = tpu.memref_slice %arg2[%dma_wait3A_92, %dma_wait3A_93] : memref<2097152x32xf32, #tpu.memory_space<hbm>> -> memref<2097152x32xf32, #tpu.memory_space<hbm>>
        tpu.wait_indirect_dma semaphore(%arg12 : memref<!tpu.dma_semaphore, #tpu.memory_space<semaphore_mem>>) src(%dma_wait3A_94 : memref<2097152x32xf32, #tpu.memory_space<hbm>>) dst(%dma_wait3A_90 : memref<512x32xf32, #tpu.memory_space<vmem>>)
      }
      %scan3A_61 = arith.constant 2 : i32
      %scan3A_62 = arith.constant 0 : i32
      %scan3A_63 = arith.constant 0 : i32
      %scan3A_64 = arith.constant 64 : i32
      %scan3A_65 = arith.addi %scan3A_63, %scan3A_64 : i32
      %scan3A_66 = arith.constant 1 : i32
      scf.for %scan3A_85 = %scan3A_63 to %scan3A_65 step %scan3A_66  : i32 {
        %mul3A_86 = arith.constant 16 : i32
        %mul3A_87 = arith.muli %scan3A_85, %mul3A_86 : i32
        %add3A_88 = vector.broadcast %mul3A_87 : i32 to vector<16xi32>
        %add3A_89 = arith.addi %iota3A, %add3A_88 : vector<16xi32>
        %get3A = arith.index_cast %mul3A_87 : i32 to index
        %get3A_90 = tpu.vector_load %arg7[%get3A] {strides = array<i32>} : memref<1024xi32, #tpu.memory_space<vmem>>, vector<16xi32>,
        %get3A_91 = arith.index_cast %mul3A_87 : i32 to index
        %get3A_92 = tpu.vector_load %arg8[%get3A_91] {strides = array<i32>} : memref<1024xf32, #tpu.memory_space<vmem>>, vector<16xf32>,
        %get3A_93 = arith.index_cast %mul3A_87 : i32 to index
        %get3A_94 = tpu.vector_load %arg9[%get3A_93] {strides = array<i32>} : memref<1024xf32, #tpu.memory_space<vmem>>, vector<16xf32>,
        %sub3A = arith.constant 1.000000e+00 : f32
        %sub3A_95 = vector.broadcast %sub3A : f32 to vector<16xf32>
        %sub3A_96 = arith.subf %sub3A_95, %get3A_92 : vector<16xf32>
        %sub3A_97 = arith.constant 1.000000e+00 : f32
        %sub3A_98 = vector.broadcast %sub3A_97 : f32 to vector<16xf32>
        %sub3A_99 = arith.subf %sub3A_98, %get3A_94 : vector<16xf32>
        %mul3A_100 = arith.mulf %sub3A_96, %sub3A_99 : vector<16xf32>
        %mul3A_101 = arith.mulf %get3A_92, %sub3A_99 : vector<16xf32>
        %mul3A_102 = arith.mulf %sub3A_96, %get3A_94 : vector<16xf32>
        %mul3A_103 = arith.mulf %get3A_92, %get3A_94 : vector<16xf32>
        %add3A_104 = arith.constant 0 : i32
        %add3A_105 = vector.broadcast %add3A_104 : i32 to vector<16xi32>
        %add3A_106 = arith.addi %get3A_90, %add3A_105 : vector<16xi32>
        %gather3A = tpu.vector_load_idx %arg10[%add3A_89, %add3A_106] : memref<1024x32xf32, #tpu.memory_space<vmem>>[vector<16xi32>, vector<16xi32>], vector<16xf32>,
        %add3A_107 = arith.constant 4 : i32
        %add3A_108 = vector.broadcast %add3A_107 : i32 to vector<16xi32>
        %add3A_109 = arith.addi %get3A_90, %add3A_108 : vector<16xi32>
        %gather3A_110 = tpu.vector_load_idx %arg10[%add3A_89, %add3A_109] : memref<1024x32xf32, #tpu.memory_space<vmem>>[vector<16xi32>, vector<16xi32>], vector<16xf32>,
        %add3A_111 = arith.constant 16 : i32
        %add3A_112 = vector.broadcast %add3A_111 : i32 to vector<16xi32>
        %add3A_113 = arith.addi %get3A_90, %add3A_112 : vector<16xi32>
        %gather3A_114 = tpu.vector_load_idx %arg10[%add3A_89, %add3A_113] : memref<1024x32xf32, #tpu.memory_space<vmem>>[vector<16xi32>, vector<16xi32>], vector<16xf32>,
        %add3A_115 = arith.constant 20 : i32
        %add3A_116 = vector.broadcast %add3A_115 : i32 to vector<16xi32>
        %add3A_117 = arith.addi %get3A_90, %add3A_116 : vector<16xi32>
        %gather3A_118 = tpu.vector_load_idx %arg10[%add3A_89, %add3A_117] : memref<1024x32xf32, #tpu.memory_space<vmem>>[vector<16xi32>, vector<16xi32>], vector<16xf32>,
        %mul3A_119 = arith.mulf %gather3A, %mul3A_100 : vector<16xf32>
        %mul3A_120 = arith.mulf %gather3A_110, %mul3A_101 : vector<16xf32>
        %add3A_121 = arith.addf %mul3A_119, %mul3A_120 : vector<16xf32>
        %mul3A_122 = arith.mulf %gather3A_114, %mul3A_102 : vector<16xf32>
        %add3A_123 = arith.addf %add3A_121, %mul3A_122 : vector<16xf32>
        %mul3A_124 = arith.mulf %gather3A_118, %mul3A_103 : vector<16xf32>
        %add3A_125 = arith.addf %add3A_123, %mul3A_124 : vector<16xf32>
        %mul3A_126 = arith.constant 0 : i32
        %mul3A_127 = vector.broadcast %mul3A_126 : i32 to vector<16xi32>
        %mul3A_128 = arith.muli %iota3A, %mul3A_127 : vector<16xi32>
        %add3A_129 = arith.constant 0 : i32
        %add3A_130 = vector.broadcast %add3A_129 : i32 to vector<16xi32>
        %add3A_131 = arith.addi %mul3A_128, %add3A_130 : vector<16xi32>
        tpu.vector_store_idx %arg11[%add3A_89, %add3A_131], %add3A_125 : memref<1024x4xf32, #tpu.memory_space<vmem>>[vector<16xi32>, vector<16xi32>], vector<16xf32>,
        %add3A_132 = arith.constant 1 : i32
        %add3A_133 = vector.broadcast %add3A_132 : i32 to vector<16xi32>
        %add3A_134 = arith.addi %get3A_90, %add3A_133 : vector<16xi32>
        %gather3A_135 = tpu.vector_load_idx %arg10[%add3A_89, %add3A_134] : memref<1024x32xf32, #tpu.memory_space<vmem>>[vector<16xi32>, vector<16xi32>], vector<16xf32>,
        %add3A_136 = arith.constant 5 : i32
        %add3A_137 = vector.broadcast %add3A_136 : i32 to vector<16xi32>
        %add3A_138 = arith.addi %get3A_90, %add3A_137 : vector<16xi32>
        %gather3A_139 = tpu.vector_load_idx %arg10[%add3A_89, %add3A_138] : memref<1024x32xf32, #tpu.memory_space<vmem>>[vector<16xi32>, vector<16xi32>], vector<16xf32>,
        %add3A_140 = arith.constant 17 : i32
        %add3A_141 = vector.broadcast %add3A_140 : i32 to vector<16xi32>
        %add3A_142 = arith.addi %get3A_90, %add3A_141 : vector<16xi32>
        %gather3A_143 = tpu.vector_load_idx %arg10[%add3A_89, %add3A_142] : memref<1024x32xf32, #tpu.memory_space<vmem>>[vector<16xi32>, vector<16xi32>], vector<16xf32>,
        %add3A_144 = arith.constant 21 : i32
        %add3A_145 = vector.broadcast %add3A_144 : i32 to vector<16xi32>
        %add3A_146 = arith.addi %get3A_90, %add3A_145 : vector<16xi32>
        %gather3A_147 = tpu.vector_load_idx %arg10[%add3A_89, %add3A_146] : memref<1024x32xf32, #tpu.memory_space<vmem>>[vector<16xi32>, vector<16xi32>], vector<16xf32>,
        %mul3A_148 = arith.mulf %gather3A_135, %mul3A_100 : vector<16xf32>
        %mul3A_149 = arith.mulf %gather3A_139, %mul3A_101 : vector<16xf32>
        %add3A_150 = arith.addf %mul3A_148, %mul3A_149 : vector<16xf32>
        %mul3A_151 = arith.mulf %gather3A_143, %mul3A_102 : vector<16xf32>
        %add3A_152 = arith.addf %add3A_150, %mul3A_151 : vector<16xf32>
        %mul3A_153 = arith.mulf %gather3A_147, %mul3A_103 : vector<16xf32>
        %add3A_154 = arith.addf %add3A_152, %mul3A_153 : vector<16xf32>
        %mul3A_155 = arith.constant 0 : i32
        %mul3A_156 = vector.broadcast %mul3A_155 : i32 to vector<16xi32>
        %mul3A_157 = arith.muli %iota3A, %mul3A_156 : vector<16xi32>
        %add3A_158 = arith.constant 1 : i32
        %add3A_159 = vector.broadcast %add3A_158 : i32 to vector<16xi32>
        %add3A_160 = arith.addi %mul3A_157, %add3A_159 : vector<16xi32>
        tpu.vector_store_idx %arg11[%add3A_89, %add3A_160], %add3A_154 : memref<1024x4xf32, #tpu.memory_space<vmem>>[vector<16xi32>, vector<16xi32>], vector<16xf32>,
        %add3A_161 = arith.constant 2 : i32
        %add3A_162 = vector.broadcast %add3A_161 : i32 to vector<16xi32>
        %add3A_163 = arith.addi %get3A_90, %add3A_162 : vector<16xi32>
        %gather3A_164 = tpu.vector_load_idx %arg10[%add3A_89, %add3A_163] : memref<1024x32xf32, #tpu.memory_space<vmem>>[vector<16xi32>, vector<16xi32>], vector<16xf32>,
        %add3A_165 = arith.constant 6 : i32
        %add3A_166 = vector.broadcast %add3A_165 : i32 to vector<16xi32>
        %add3A_167 = arith.addi %get3A_90, %add3A_166 : vector<16xi32>
        %gather3A_168 = tpu.vector_load_idx %arg10[%add3A_89, %add3A_167] : memref<1024x32xf32, #tpu.memory_space<vmem>>[vector<16xi32>, vector<16xi32>], vector<16xf32>,
        %add3A_169 = arith.constant 18 : i32
        %add3A_170 = vector.broadcast %add3A_169 : i32 to vector<16xi32>
        %add3A_171 = arith.addi %get3A_90, %add3A_170 : vector<16xi32>
        %gather3A_172 = tpu.vector_load_idx %arg10[%add3A_89, %add3A_171] : memref<1024x32xf32, #tpu.memory_space<vmem>>[vector<16xi32>, vector<16xi32>], vector<16xf32>,
        %add3A_173 = arith.constant 22 : i32
        %add3A_174 = vector.broadcast %add3A_173 : i32 to vector<16xi32>
        %add3A_175 = arith.addi %get3A_90, %add3A_174 : vector<16xi32>
        %gather3A_176 = tpu.vector_load_idx %arg10[%add3A_89, %add3A_175] : memref<1024x32xf32, #tpu.memory_space<vmem>>[vector<16xi32>, vector<16xi32>], vector<16xf32>,
        %mul3A_177 = arith.mulf %gather3A_164, %mul3A_100 : vector<16xf32>
        %mul3A_178 = arith.mulf %gather3A_168, %mul3A_101 : vector<16xf32>
        %add3A_179 = arith.addf %mul3A_177, %mul3A_178 : vector<16xf32>
        %mul3A_180 = arith.mulf %gather3A_172, %mul3A_102 : vector<16xf32>
        %add3A_181 = arith.addf %add3A_179, %mul3A_180 : vector<16xf32>
        %mul3A_182 = arith.mulf %gather3A_176, %mul3A_103 : vector<16xf32>
        %add3A_183 = arith.addf %add3A_181, %mul3A_182 : vector<16xf32>
        %mul3A_184 = arith.constant 0 : i32
        %mul3A_185 = vector.broadcast %mul3A_184 : i32 to vector<16xi32>
        %mul3A_186 = arith.muli %iota3A, %mul3A_185 : vector<16xi32>
        %add3A_187 = arith.constant 2 : i32
        %add3A_188 = vector.broadcast %add3A_187 : i32 to vector<16xi32>
        %add3A_189 = arith.addi %mul3A_186, %add3A_188 : vector<16xi32>
        tpu.vector_store_idx %arg11[%add3A_89, %add3A_189], %add3A_183 : memref<1024x4xf32, #tpu.memory_space<vmem>>[vector<16xi32>, vector<16xi32>], vector<16xf32>,
        %add3A_190 = arith.constant 3 : i32
        %add3A_191 = vector.broadcast %add3A_190 : i32 to vector<16xi32>
        %add3A_192 = arith.addi %get3A_90, %add3A_191 : vector<16xi32>
        %gather3A_193 = tpu.vector_load_idx %arg10[%add3A_89, %add3A_192] : memref<1024x32xf32, #tpu.memory_space<vmem>>[vector<16xi32>, vector<16xi32>], vector<16xf32>,
        %add3A_194 = arith.constant 7 : i32
        %add3A_195 = vector.broadcast %add3A_194 : i32 to vector<16xi32>
        %add3A_196 = arith.addi %get3A_90, %add3A_195 : vector<16xi32>
        %gather3A_197 = tpu.vector_load_idx %arg10[%add3A_89, %add3A_196] : memref<1024x32xf32, #tpu.memory_space<vmem>>[vector<16xi32>, vector<16xi32>], vector<16xf32>,
        %add3A_198 = arith.constant 19 : i32
        %add3A_199 = vector.broadcast %add3A_198 : i32 to vector<16xi32>
        %add3A_200 = arith.addi %get3A_90, %add3A_199 : vector<16xi32>
        %gather3A_201 = tpu.vector_load_idx %arg10[%add3A_89, %add3A_200] : memref<1024x32xf32, #tpu.memory_space<vmem>>[vector<16xi32>, vector<16xi32>], vector<16xf32>,
        %add3A_202 = arith.constant 23 : i32
        %add3A_203 = vector.broadcast %add3A_202 : i32 to vector<16xi32>
        %add3A_204 = arith.addi %get3A_90, %add3A_203 : vector<16xi32>
        %gather3A_205 = tpu.vector_load_idx %arg10[%add3A_89, %add3A_204] : memref<1024x32xf32, #tpu.memory_space<vmem>>[vector<16xi32>, vector<16xi32>], vector<16xf32>,
        %mul3A_206 = arith.mulf %gather3A_193, %mul3A_100 : vector<16xf32>
        %mul3A_207 = arith.mulf %gather3A_197, %mul3A_101 : vector<16xf32>
        %add3A_208 = arith.addf %mul3A_206, %mul3A_207 : vector<16xf32>
        %mul3A_209 = arith.mulf %gather3A_201, %mul3A_102 : vector<16xf32>
        %add3A_210 = arith.addf %add3A_208, %mul3A_209 : vector<16xf32>
        %mul3A_211 = arith.mulf %gather3A_205, %mul3A_103 : vector<16xf32>
        %add3A_212 = arith.addf %add3A_210, %mul3A_211 : vector<16xf32>
        %mul3A_213 = arith.constant 0 : i32
        %mul3A_214 = vector.broadcast %mul3A_213 : i32 to vector<16xi32>
        %mul3A_215 = arith.muli %iota3A, %mul3A_214 : vector<16xi32>
        %add3A_216 = arith.constant 3 : i32
        %add3A_217 = vector.broadcast %add3A_216 : i32 to vector<16xi32>
        %add3A_218 = arith.addi %mul3A_215, %add3A_217 : vector<16xi32>
        tpu.vector_store_idx %arg11[%add3A_89, %add3A_218], %add3A_212 : memref<1024x4xf32, #tpu.memory_space<vmem>>[vector<16xi32>, vector<16xi32>], vector<16xf32>,
      }
      %scan3A_67 = arith.constant 64 : i32
      "tpu.region"() ({
        %run_scoped3A = tpu.sem_alloc : memref<!tpu.dma_semaphore, #tpu.memory_space<semaphore_mem>>
        %dma_start3A = arith.constant 0 : i32
        %dma_start3A_85 = tpu.memref_slice %arg4[%add3A_55, %dma_start3A] : memref<1048576x4xf32, #tpu.memory_space<hbm>> -> memref<1024x4xf32, #tpu.memory_space<hbm>>
        %dma_start3A_86 = arith.constant 0 : i32
        %dma_start3A_87 = tpu.memref_slice %arg4[%add3A_55, %dma_start3A_86] : memref<1048576x4xf32, #tpu.memory_space<hbm>> -> memref<1024x4xf32, #tpu.memory_space<hbm>>
        tpu.enqueue_dma source(%arg11 : memref<1024x4xf32, #tpu.memory_space<vmem>>) target(%dma_start3A_87 : memref<1024x4xf32, #tpu.memory_space<hbm>>) target_semaphore(%run_scoped3A : memref<!tpu.dma_semaphore, #tpu.memory_space<semaphore_mem>>)
        %dma_wait3A = arith.constant 0 : i32
        %dma_wait3A_88 = tpu.memref_slice %arg4[%add3A_55, %dma_wait3A] : memref<1048576x4xf32, #tpu.memory_space<hbm>> -> memref<1024x4xf32, #tpu.memory_space<hbm>>
        %dma_wait3A_89 = arith.constant 0 : i32
        %dma_wait3A_90 = tpu.memref_slice %arg4[%add3A_55, %dma_wait3A_89] : memref<1048576x4xf32, #tpu.memory_space<hbm>> -> memref<1024x4xf32, #tpu.memory_space<hbm>>
        tpu.wait_dma2 semaphore(%run_scoped3A : memref<!tpu.dma_semaphore, #tpu.memory_space<semaphore_mem>>) src(%arg11 : memref<1024x4xf32, #tpu.memory_space<vmem>>) dst(%dma_wait3A_90 : memref<1024x4xf32, #tpu.memory_space<hbm>>)
        tpu.yield
      }) : () -> ()
      %mul3A_68 = arith.constant 32768 : i32
      %mul3A_69 = arith.muli %add3A, %mul3A_68 : i32
      %mul3A_70 = arith.constant 1024 : i32
      %mul3A_71 = arith.muli %add3A_12, %mul3A_70 : i32
      %add3A_72 = arith.addi %mul3A_69, %mul3A_71 : i32
      %scan3A_73 = arith.constant 0 : i32
      %scan3A_74 = arith.constant 0 : i32
      %scan3A_75 = arith.constant 2 : i32
      %scan3A_76 = arith.addi %scan3A_74, %scan3A_75 : i32
      %scan3A_77 = arith.constant 1 : i32
      scf.for %scan3A_85 = %scan3A_74 to %scan3A_76 step %scan3A_77  : i32 {
        %mul3A_86 = arith.constant 512 : i32
        %mul3A_87 = arith.muli %scan3A_85, %mul3A_86 : i32
        %mul3A_88 = arith.constant 512 : i32
        %mul3A_89 = arith.muli %scan3A_85, %mul3A_88 : i32
        %dma_wait3A = arith.constant 0 : i32
        %dma_wait3A_90 = tpu.memref_slice %arg18[%mul3A_89, %dma_wait3A] : memref<1024x32xf32, #tpu.memory_space<vmem>> -> memref<512x32xf32, #tpu.memory_space<vmem>>
        %dma_wait3A_91 = tpu.memref_slice %arg14[%mul3A_87] : memref<1024xi32, #tpu.memory_space<vmem>> -> memref<512xi32, #tpu.memory_space<vmem>>
        %dma_wait3A_92 = arith.constant 0 : i32
        %dma_wait3A_93 = arith.constant 0 : i32
        %dma_wait3A_94 = tpu.memref_slice %arg2[%dma_wait3A_92, %dma_wait3A_93] : memref<2097152x32xf32, #tpu.memory_space<hbm>> -> memref<2097152x32xf32, #tpu.memory_space<hbm>>
        tpu.wait_indirect_dma semaphore(%arg20 : memref<!tpu.dma_semaphore, #tpu.memory_space<semaphore_mem>>) src(%dma_wait3A_94 : memref<2097152x32xf32, #tpu.memory_space<hbm>>) dst(%dma_wait3A_90 : memref<512x32xf32, #tpu.memory_space<vmem>>)
      }
      %scan3A_78 = arith.constant 2 : i32
      %scan3A_79 = arith.constant 0 : i32
      %scan3A_80 = arith.constant 0 : i32
      %scan3A_81 = arith.constant 64 : i32
      %scan3A_82 = arith.addi %scan3A_80, %scan3A_81 : i32
      %scan3A_83 = arith.constant 1 : i32
      scf.for %scan3A_85 = %scan3A_80 to %scan3A_82 step %scan3A_83  : i32 {
        %mul3A_86 = arith.constant 16 : i32
        %mul3A_87 = arith.muli %scan3A_85, %mul3A_86 : i32
        %add3A_88 = vector.broadcast %mul3A_87 : i32 to vector<16xi32>
        %add3A_89 = arith.addi %iota3A, %add3A_88 : vector<16xi32>
        %get3A = arith.index_cast %mul3A_87 : i32 to index
        %get3A_90 = tpu.vector_load %arg15[%get3A] {strides = array<i32>} : memref<1024xi32, #tpu.memory_space<vmem>>, vector<16xi32>,
        %get3A_91 = arith.index_cast %mul3A_87 : i32 to index
        %get3A_92 = tpu.vector_load %arg16[%get3A_91] {strides = array<i32>} : memref<1024xf32, #tpu.memory_space<vmem>>, vector<16xf32>,
        %get3A_93 = arith.index_cast %mul3A_87 : i32 to index
        %get3A_94 = tpu.vector_load %arg17[%get3A_93] {strides = array<i32>} : memref<1024xf32, #tpu.memory_space<vmem>>, vector<16xf32>,
        %sub3A = arith.constant 1.000000e+00 : f32
        %sub3A_95 = vector.broadcast %sub3A : f32 to vector<16xf32>
        %sub3A_96 = arith.subf %sub3A_95, %get3A_92 : vector<16xf32>
        %sub3A_97 = arith.constant 1.000000e+00 : f32
        %sub3A_98 = vector.broadcast %sub3A_97 : f32 to vector<16xf32>
        %sub3A_99 = arith.subf %sub3A_98, %get3A_94 : vector<16xf32>
        %mul3A_100 = arith.mulf %sub3A_96, %sub3A_99 : vector<16xf32>
        %mul3A_101 = arith.mulf %get3A_92, %sub3A_99 : vector<16xf32>
        %mul3A_102 = arith.mulf %sub3A_96, %get3A_94 : vector<16xf32>
        %mul3A_103 = arith.mulf %get3A_92, %get3A_94 : vector<16xf32>
        %add3A_104 = arith.constant 0 : i32
        %add3A_105 = vector.broadcast %add3A_104 : i32 to vector<16xi32>
        %add3A_106 = arith.addi %get3A_90, %add3A_105 : vector<16xi32>
        %gather3A = tpu.vector_load_idx %arg18[%add3A_89, %add3A_106] : memref<1024x32xf32, #tpu.memory_space<vmem>>[vector<16xi32>, vector<16xi32>], vector<16xf32>,
        %add3A_107 = arith.constant 4 : i32
        %add3A_108 = vector.broadcast %add3A_107 : i32 to vector<16xi32>
        %add3A_109 = arith.addi %get3A_90, %add3A_108 : vector<16xi32>
        %gather3A_110 = tpu.vector_load_idx %arg18[%add3A_89, %add3A_109] : memref<1024x32xf32, #tpu.memory_space<vmem>>[vector<16xi32>, vector<16xi32>], vector<16xf32>,
        %add3A_111 = arith.constant 16 : i32
        %add3A_112 = vector.broadcast %add3A_111 : i32 to vector<16xi32>
        %add3A_113 = arith.addi %get3A_90, %add3A_112 : vector<16xi32>
        %gather3A_114 = tpu.vector_load_idx %arg18[%add3A_89, %add3A_113] : memref<1024x32xf32, #tpu.memory_space<vmem>>[vector<16xi32>, vector<16xi32>], vector<16xf32>,
        %add3A_115 = arith.constant 20 : i32
        %add3A_116 = vector.broadcast %add3A_115 : i32 to vector<16xi32>
        %add3A_117 = arith.addi %get3A_90, %add3A_116 : vector<16xi32>
        %gather3A_118 = tpu.vector_load_idx %arg18[%add3A_89, %add3A_117] : memref<1024x32xf32, #tpu.memory_space<vmem>>[vector<16xi32>, vector<16xi32>], vector<16xf32>,
        %mul3A_119 = arith.mulf %gather3A, %mul3A_100 : vector<16xf32>
        %mul3A_120 = arith.mulf %gather3A_110, %mul3A_101 : vector<16xf32>
        %add3A_121 = arith.addf %mul3A_119, %mul3A_120 : vector<16xf32>
        %mul3A_122 = arith.mulf %gather3A_114, %mul3A_102 : vector<16xf32>
        %add3A_123 = arith.addf %add3A_121, %mul3A_122 : vector<16xf32>
        %mul3A_124 = arith.mulf %gather3A_118, %mul3A_103 : vector<16xf32>
        %add3A_125 = arith.addf %add3A_123, %mul3A_124 : vector<16xf32>
        %mul3A_126 = arith.constant 0 : i32
        %mul3A_127 = vector.broadcast %mul3A_126 : i32 to vector<16xi32>
        %mul3A_128 = arith.muli %iota3A, %mul3A_127 : vector<16xi32>
        %add3A_129 = arith.constant 0 : i32
        %add3A_130 = vector.broadcast %add3A_129 : i32 to vector<16xi32>
        %add3A_131 = arith.addi %mul3A_128, %add3A_130 : vector<16xi32>
        tpu.vector_store_idx %arg19[%add3A_89, %add3A_131], %add3A_125 : memref<1024x4xf32, #tpu.memory_space<vmem>>[vector<16xi32>, vector<16xi32>], vector<16xf32>,
        %add3A_132 = arith.constant 1 : i32
        %add3A_133 = vector.broadcast %add3A_132 : i32 to vector<16xi32>
        %add3A_134 = arith.addi %get3A_90, %add3A_133 : vector<16xi32>
        %gather3A_135 = tpu.vector_load_idx %arg18[%add3A_89, %add3A_134] : memref<1024x32xf32, #tpu.memory_space<vmem>>[vector<16xi32>, vector<16xi32>], vector<16xf32>,
        %add3A_136 = arith.constant 5 : i32
        %add3A_137 = vector.broadcast %add3A_136 : i32 to vector<16xi32>
        %add3A_138 = arith.addi %get3A_90, %add3A_137 : vector<16xi32>
        %gather3A_139 = tpu.vector_load_idx %arg18[%add3A_89, %add3A_138] : memref<1024x32xf32, #tpu.memory_space<vmem>>[vector<16xi32>, vector<16xi32>], vector<16xf32>,
        %add3A_140 = arith.constant 17 : i32
        %add3A_141 = vector.broadcast %add3A_140 : i32 to vector<16xi32>
        %add3A_142 = arith.addi %get3A_90, %add3A_141 : vector<16xi32>
        %gather3A_143 = tpu.vector_load_idx %arg18[%add3A_89, %add3A_142] : memref<1024x32xf32, #tpu.memory_space<vmem>>[vector<16xi32>, vector<16xi32>], vector<16xf32>,
        %add3A_144 = arith.constant 21 : i32
        %add3A_145 = vector.broadcast %add3A_144 : i32 to vector<16xi32>
        %add3A_146 = arith.addi %get3A_90, %add3A_145 : vector<16xi32>
        %gather3A_147 = tpu.vector_load_idx %arg18[%add3A_89, %add3A_146] : memref<1024x32xf32, #tpu.memory_space<vmem>>[vector<16xi32>, vector<16xi32>], vector<16xf32>,
        %mul3A_148 = arith.mulf %gather3A_135, %mul3A_100 : vector<16xf32>
        %mul3A_149 = arith.mulf %gather3A_139, %mul3A_101 : vector<16xf32>
        %add3A_150 = arith.addf %mul3A_148, %mul3A_149 : vector<16xf32>
        %mul3A_151 = arith.mulf %gather3A_143, %mul3A_102 : vector<16xf32>
        %add3A_152 = arith.addf %add3A_150, %mul3A_151 : vector<16xf32>
        %mul3A_153 = arith.mulf %gather3A_147, %mul3A_103 : vector<16xf32>
        %add3A_154 = arith.addf %add3A_152, %mul3A_153 : vector<16xf32>
        %mul3A_155 = arith.constant 0 : i32
        %mul3A_156 = vector.broadcast %mul3A_155 : i32 to vector<16xi32>
        %mul3A_157 = arith.muli %iota3A, %mul3A_156 : vector<16xi32>
        %add3A_158 = arith.constant 1 : i32
        %add3A_159 = vector.broadcast %add3A_158 : i32 to vector<16xi32>
        %add3A_160 = arith.addi %mul3A_157, %add3A_159 : vector<16xi32>
        tpu.vector_store_idx %arg19[%add3A_89, %add3A_160], %add3A_154 : memref<1024x4xf32, #tpu.memory_space<vmem>>[vector<16xi32>, vector<16xi32>], vector<16xf32>,
        %add3A_161 = arith.constant 2 : i32
        %add3A_162 = vector.broadcast %add3A_161 : i32 to vector<16xi32>
        %add3A_163 = arith.addi %get3A_90, %add3A_162 : vector<16xi32>
        %gather3A_164 = tpu.vector_load_idx %arg18[%add3A_89, %add3A_163] : memref<1024x32xf32, #tpu.memory_space<vmem>>[vector<16xi32>, vector<16xi32>], vector<16xf32>,
        %add3A_165 = arith.constant 6 : i32
        %add3A_166 = vector.broadcast %add3A_165 : i32 to vector<16xi32>
        %add3A_167 = arith.addi %get3A_90, %add3A_166 : vector<16xi32>
        %gather3A_168 = tpu.vector_load_idx %arg18[%add3A_89, %add3A_167] : memref<1024x32xf32, #tpu.memory_space<vmem>>[vector<16xi32>, vector<16xi32>], vector<16xf32>,
        %add3A_169 = arith.constant 18 : i32
        %add3A_170 = vector.broadcast %add3A_169 : i32 to vector<16xi32>
        %add3A_171 = arith.addi %get3A_90, %add3A_170 : vector<16xi32>
        %gather3A_172 = tpu.vector_load_idx %arg18[%add3A_89, %add3A_171] : memref<1024x32xf32, #tpu.memory_space<vmem>>[vector<16xi32>, vector<16xi32>], vector<16xf32>,
        %add3A_173 = arith.constant 22 : i32
        %add3A_174 = vector.broadcast %add3A_173 : i32 to vector<16xi32>
        %add3A_175 = arith.addi %get3A_90, %add3A_174 : vector<16xi32>
        %gather3A_176 = tpu.vector_load_idx %arg18[%add3A_89, %add3A_175] : memref<1024x32xf32, #tpu.memory_space<vmem>>[vector<16xi32>, vector<16xi32>], vector<16xf32>,
        %mul3A_177 = arith.mulf %gather3A_164, %mul3A_100 : vector<16xf32>
        %mul3A_178 = arith.mulf %gather3A_168, %mul3A_101 : vector<16xf32>
        %add3A_179 = arith.addf %mul3A_177, %mul3A_178 : vector<16xf32>
        %mul3A_180 = arith.mulf %gather3A_172, %mul3A_102 : vector<16xf32>
        %add3A_181 = arith.addf %add3A_179, %mul3A_180 : vector<16xf32>
        %mul3A_182 = arith.mulf %gather3A_176, %mul3A_103 : vector<16xf32>
        %add3A_183 = arith.addf %add3A_181, %mul3A_182 : vector<16xf32>
        %mul3A_184 = arith.constant 0 : i32
        %mul3A_185 = vector.broadcast %mul3A_184 : i32 to vector<16xi32>
        %mul3A_186 = arith.muli %iota3A, %mul3A_185 : vector<16xi32>
        %add3A_187 = arith.constant 2 : i32
        %add3A_188 = vector.broadcast %add3A_187 : i32 to vector<16xi32>
        %add3A_189 = arith.addi %mul3A_186, %add3A_188 : vector<16xi32>
        tpu.vector_store_idx %arg19[%add3A_89, %add3A_189], %add3A_183 : memref<1024x4xf32, #tpu.memory_space<vmem>>[vector<16xi32>, vector<16xi32>], vector<16xf32>,
        %add3A_190 = arith.constant 3 : i32
        %add3A_191 = vector.broadcast %add3A_190 : i32 to vector<16xi32>
        %add3A_192 = arith.addi %get3A_90, %add3A_191 : vector<16xi32>
        %gather3A_193 = tpu.vector_load_idx %arg18[%add3A_89, %add3A_192] : memref<1024x32xf32, #tpu.memory_space<vmem>>[vector<16xi32>, vector<16xi32>], vector<16xf32>,
        %add3A_194 = arith.constant 7 : i32
        %add3A_195 = vector.broadcast %add3A_194 : i32 to vector<16xi32>
        %add3A_196 = arith.addi %get3A_90, %add3A_195 : vector<16xi32>
        %gather3A_197 = tpu.vector_load_idx %arg18[%add3A_89, %add3A_196] : memref<1024x32xf32, #tpu.memory_space<vmem>>[vector<16xi32>, vector<16xi32>], vector<16xf32>,
        %add3A_198 = arith.constant 19 : i32
        %add3A_199 = vector.broadcast %add3A_198 : i32 to vector<16xi32>
        %add3A_200 = arith.addi %get3A_90, %add3A_199 : vector<16xi32>
        %gather3A_201 = tpu.vector_load_idx %arg18[%add3A_89, %add3A_200] : memref<1024x32xf32, #tpu.memory_space<vmem>>[vector<16xi32>, vector<16xi32>], vector<16xf32>,
        %add3A_202 = arith.constant 23 : i32
        %add3A_203 = vector.broadcast %add3A_202 : i32 to vector<16xi32>
        %add3A_204 = arith.addi %get3A_90, %add3A_203 : vector<16xi32>
        %gather3A_205 = tpu.vector_load_idx %arg18[%add3A_89, %add3A_204] : memref<1024x32xf32, #tpu.memory_space<vmem>>[vector<16xi32>, vector<16xi32>], vector<16xf32>,
        %mul3A_206 = arith.mulf %gather3A_193, %mul3A_100 : vector<16xf32>
        %mul3A_207 = arith.mulf %gather3A_197, %mul3A_101 : vector<16xf32>
        %add3A_208 = arith.addf %mul3A_206, %mul3A_207 : vector<16xf32>
        %mul3A_209 = arith.mulf %gather3A_201, %mul3A_102 : vector<16xf32>
        %add3A_210 = arith.addf %add3A_208, %mul3A_209 : vector<16xf32>
        %mul3A_211 = arith.mulf %gather3A_205, %mul3A_103 : vector<16xf32>
        %add3A_212 = arith.addf %add3A_210, %mul3A_211 : vector<16xf32>
        %mul3A_213 = arith.constant 0 : i32
        %mul3A_214 = vector.broadcast %mul3A_213 : i32 to vector<16xi32>
        %mul3A_215 = arith.muli %iota3A, %mul3A_214 : vector<16xi32>
        %add3A_216 = arith.constant 3 : i32
        %add3A_217 = vector.broadcast %add3A_216 : i32 to vector<16xi32>
        %add3A_218 = arith.addi %mul3A_215, %add3A_217 : vector<16xi32>
        tpu.vector_store_idx %arg19[%add3A_89, %add3A_218], %add3A_212 : memref<1024x4xf32, #tpu.memory_space<vmem>>[vector<16xi32>, vector<16xi32>], vector<16xf32>,
      }
      %scan3A_84 = arith.constant 64 : i32
      "tpu.region"() ({
        %run_scoped3A = tpu.sem_alloc : memref<!tpu.dma_semaphore, #tpu.memory_space<semaphore_mem>>
        %dma_start3A = arith.constant 0 : i32
        %dma_start3A_85 = tpu.memref_slice %arg4[%add3A_72, %dma_start3A] : memref<1048576x4xf32, #tpu.memory_space<hbm>> -> memref<1024x4xf32, #tpu.memory_space<hbm>>
        %dma_start3A_86 = arith.constant 0 : i32
        %dma_start3A_87 = tpu.memref_slice %arg4[%add3A_72, %dma_start3A_86] : memref<1048576x4xf32, #tpu.memory_space<hbm>> -> memref<1024x4xf32, #tpu.memory_space<hbm>>
        tpu.enqueue_dma source(%arg19 : memref<1024x4xf32, #tpu.memory_space<vmem>>) target(%dma_start3A_87 : memref<1024x4xf32, #tpu.memory_space<hbm>>) target_semaphore(%run_scoped3A : memref<!tpu.dma_semaphore, #tpu.memory_space<semaphore_mem>>)
        %dma_wait3A = arith.constant 0 : i32
        %dma_wait3A_88 = tpu.memref_slice %arg4[%add3A_72, %dma_wait3A] : memref<1048576x4xf32, #tpu.memory_space<hbm>> -> memref<1024x4xf32, #tpu.memory_space<hbm>>
        %dma_wait3A_89 = arith.constant 0 : i32
        %dma_wait3A_90 = tpu.memref_slice %arg4[%add3A_72, %dma_wait3A_89] : memref<1048576x4xf32, #tpu.memory_space<hbm>> -> memref<1024x4xf32, #tpu.memory_space<hbm>>
        tpu.wait_dma2 semaphore(%run_scoped3A : memref<!tpu.dma_semaphore, #tpu.memory_space<semaphore_mem>>) src(%arg19 : memref<1024x4xf32, #tpu.memory_space<vmem>>) dst(%dma_wait3A_90 : memref<1024x4xf32, #tpu.memory_space<hbm>>)
        tpu.yield
      }) : () -> ()
    }
    %scan3A_5 = arith.constant 16 : i32
    return
  }
}

</mosaic_0001>

<sc_bundles>
// kernel: _sample.3.cloned.1.call-start
scs
__scs_entry_jumppad:
0x0: {  	(pc) =	sbr.rel $0x88, $3  }
0x1: {  	(tag) =	ssettag $0x0;
	lr =	simm.s32 $0x1  }
0x2: {  	[smem:$0x3F9F] =	sst lr;
	_ =	strace $0xD0000000  }
0x3: {  	_ = 	snop  }
0x4: {  	_ = 	snop  }
0x5: {  	_ = 	snop  }
0x6: {  	_ = 	snop  }
0x7: {  	_ = 	snop  }
__scs_overlays_trampoline_lowered:
0x8: {  	[smem:$0x3FAE] =	sst s0  }
0x9: {  	[smem:$0x3FAF] =	sst s1  }
0xa: {  	[smem:$0x3FB0] =	sst s2  }
0xb: {  	[smem:$0x3FB1] =	sst s3  }
0xc: {  	[smem:$0x3FB2] =	sst s4  }
0xd: {  	[smem:$0x3FB3] =	sst s5  }
0xe: {  	[smem:$0x3FB4] =	sst s6  }
0xf: {  	[smem:$0x3FB5] =	sst s7  }
0x10: {  	[smem:$0x3FB6] =	sst s8  }
0x11: {  	[smem:$0x3FB7] =	sst s9;
	s0 =	simm.s32 @!p0 $0x0  }
0x12: {  	s1 =	sld [smem:$0x3F9D];
	s0 =	simm.s32 @p0 $0x1  }
0x13: {  	[smem:$0x3FB8] =	sst s0;
	s0 =	simm.s32 @!p1 $0x0  }
0x14: {  	s2 =	sld [smem:$0x3F9C];
	s0 =	simm.s32 @p1 $0x1  }
0x15: {  	[smem:$0x3FB9] =	sst s0;
	s0 =	simm.s32 @!p2 $0x0  }
0x16: {  	s3 =	sld [smem:$0x3FDB];
	s0 =	simm.s32 @p2 $0x1  }
0x17: {  	s4 =	simm.s32 $0x1BF5;
	[smem:$0x3FBB] =	sst s0  }
0x18: {  	s0 =	sld [smem:$0x3F9E];
	_ =	swait.ge [sflag:s4], $0x0  }
0x19: {  	s7 =	sld [smem:$0x3F9F]  }
0x1a: {  	s8 =	sadd.s32 $0xFFFFE003, lr  }
0x1b: {  	s9 =	sadd.s32 $0xFFFFFEF7, lr;
	s5 =	simm.s32 $0xFFFFFFFF;
	p2 =	slt.u32 s8, $0xFFFFF086  }
0x1c: {  	p1 =	slt.u32 s9, $0xF7A;
	s5 =	simm.s32 @!p2 $0x0  }
0x1d: {  	s5 =	simm.s32 @p1 $0x1;
	p0 =	seq.s32 s7, s2  }
0x1e: {  	s7 =	smul.u32 @!p0 $0xF7A, s2;
	p2 =	seq.s32 @!p0 s5, $0x0  }
0x1f: {  	s9 =	smul.u32 $0xF7A, s1;
	s8 =	simm.s32 @!p0 $0x1BF5;
	p2 =	por !p2, p0  }
0x20: {  	[sflag:s8] =	ssyncset.s32 @!p0 $0xFFFFF086;
	s6 =	sadd.s32 @!p0 s3, s7;
	s7 =	simm.s32 @!p0 $0x108  }
0x21: {  	s3 =	sadd.s32 s3, s9;
	s6 =	sadd.s32 @!p0 $0x88, s6;
	s7 =	simm.s32 @p2 $0x1082  }
0x22: {  	[simem:s7], [sflag:s8] =	dma.local @!p0 [hbm:s6], $0xF7A  }
0x23: {  	s9 =	sor.u32 $0xD0000000, s2;
	s6 =	simm.s32 $0x108;
	_ =	swait.ge @!p0 [sflag:s8], $0x0  }
0x24: {  	s3 =	sadd.s32 $0x88, s3;
	s6 =	simm.s32 @!p1 $0x1082;
	[sflag:s4] =	ssyncset.s32 $0xFFFFF086  }
0x25: {  	[simem:s6], [sflag:s4] =	dma.local [hbm:s3], $0xF7A  }
0x26: {  	[smem:$0x3F9F] =	sst s1;
	(tag) =	ssettag s2;
	_ =	strace s9  }
0x27: {  	s1 =	sld [smem:$0x3FAF]  }
0x28: {  	s2 =	sld [smem:$0x3FB0]  }
0x29: {  	s4 =	sld [smem:$0x3FB2]  }
0x2a: {  	p0 =	seq.s32 s5, $0x0;
	s5 =	sld [smem:$0x3FB3]  }
0x2b: {  	s6 =	sld [smem:$0x3FB4]  }
0x2c: {  	s7 =	sld [smem:$0x3FB5]  }
0x2d: {  	s3 =	simm.s32 $0x108;
	s8 =	sld [smem:$0x3FB6]  }
0x2e: {  	s3 =	simm.s32 @!p0 $0x1082;
	s9 =	sld [smem:$0x3FB7]  }
0x2f: {  	lr =	sadd.s32 s0, s3;
	s0 =	sld [smem:$0x3FAE]  }
0x30: {  	s3 =	sld [smem:$0x3FB1]  }
0x31: {  	[smem:$0x3FBA] =	sst s10  }
0x32: {  	s10 =	sld [smem:$0x3FB8];
	_ =	sdelay $0x3  }
0x33: {  	p0 =	seq.s32 s10, $0x1;
	s10 =	sld [smem:$0x3FBA];
	_ =	sdelay $0x3  }
0x34: {  	[smem:$0x3FBA] =	sst s10  }
0x35: {  	s10 =	sld [smem:$0x3FB9];
	_ =	sdelay $0x3  }
0x36: {  	p1 =	seq.s32 s10, $0x1;
	s10 =	sld [smem:$0x3FBA];
	_ =	sdelay $0x3  }
0x37: {  	[smem:$0x3FBA] =	sst s10  }
0x38: {  	s10 =	sld [smem:$0x3FBB]  }
0x39: {  	_ = 	snop;
	(pc) =	sbr.ind lr, $3  }
0x3a: {  	_ = 	snop  }
0x3b: {  	_ = 	snop  }
0x3c: {  	p2 =	seq.s32 s10, $0x1;
	s10 =	sld [smem:$0x3FBA]  }
0x3d: {  	_ =	shalt  }
0x3e: {  	_ =	shalt  }
0x3f: {  	_ =	shalt  }
0x40: {  	_ =	shalt  }
0x41: {  	_ =	shalt  }
0x42: {  	_ =	shalt  }
0x43: {  	_ =	shalt  }
0x44: {  	_ =	shalt  }
0x45: {  	_ =	shalt  }
0x46: {  	_ =	shalt  }
0x47: {  	_ =	shalt  }
0x48: {  	_ =	shalt  }
0x49: {  	_ =	shalt  }
0x4a: {  	_ =	shalt  }
0x4b: {  	_ =	shalt  }
0x4c: {  	_ =	shalt  }
0x4d: {  	_ =	shalt  }
0x4e: {  	_ =	shalt  }
0x4f: {  	_ =	shalt  }
0x50: {  	_ =	shalt  }
0x51: {  	_ =	shalt  }
0x52: {  	_ =	shalt  }
0x53: {  	_ =	shalt  }
0x54: {  	_ =	shalt  }
0x55: {  	_ =	shalt  }
0x56: {  	_ =	shalt  }
0x57: {  	_ =	shalt  }
0x58: {  	_ =	shalt  }
0x59: {  	_ =	shalt  }
0x5a: {  	_ =	shalt  }
0x5b: {  	_ =	shalt  }
0x5c: {  	_ =	shalt  }
0x5d: {  	_ =	shalt  }
0x5e: {  	_ =	shalt  }
0x5f: {  	_ =	shalt  }
0x60: {  	_ =	shalt  }
0x61: {  	_ =	shalt  }
0x62: {  	_ =	shalt  }
0x63: {  	_ =	shalt  }
0x64: {  	_ =	shalt  }
0x65: {  	_ =	shalt  }
0x66: {  	_ =	shalt  }
0x67: {  	_ =	shalt  }
0x68: {  	_ =	shalt  }
0x69: {  	_ =	shalt  }
0x6a: {  	_ =	shalt  }
0x6b: {  	_ =	shalt  }
0x6c: {  	_ =	shalt  }
0x6d: {  	_ =	shalt  }
0x6e: {  	_ =	shalt  }
0x6f: {  	_ =	shalt  }
0x70: {  	_ =	shalt  }
0x71: {  	_ =	shalt  }
0x72: {  	_ =	shalt  }
0x73: {  	_ =	shalt  }
0x74: {  	_ =	shalt  }
0x75: {  	_ =	shalt  }
0x76: {  	_ =	shalt  }
0x77: {  	_ =	shalt  }
0x78: {  	_ =	shalt  }
0x79: {  	_ =	shalt  }
0x7a: {  	_ =	shalt  }
0x7b: {  	_ =	shalt  }
0x7c: {  	_ =	shalt  }
0x7d: {  	_ =	shalt  }
0x7e: {  	_ =	shalt  }
0x7f: {  	_ =	shalt  }
0x80: {  	_ =	shalt  }
0x81: {  	_ =	shalt  }
0x82: {  	_ =	shalt  }
0x83: {  	_ =	shalt  }
0x84: {  	_ =	shalt  }
0x85: {  	_ =	shalt  }
0x86: {  	_ =	shalt  }
0x87: {  	_ =	shalt  }
.Lfunc_end0:
.L_simem_size_0:
called_computation_lowered:
.L_overlay_start_0:
0x88: {  	s2 =	sld [smem:$0x3FD9]  }
0x89: {  	s3 =	sld [smem:$0x3FFE];
	_ =	sdelay $0x1  }
0x8a: {  	s1 =	srdreg.scid  }
0x8b: {  	s0 =	sand.u32 $0x1, s1  }
0x8c: {  	s17 =	sshll.u32 s0, $0xA;
	s2 =	sadd.s32 s3, s2  }
0x8d: {  	s2 =	sadd.s32 s2, s17  }
0x8e: {  	[smem:$0x3FC6] =	sst s2  }
0x8f: {  	_ = 	snop  }
0x90: {  	s2 =	sld [smem:$0x3FC8];
	(tm) =	ssettm $0x1  }
0x91: {  	s18 =	sld [smem:$0x3FFB];
	_ =	sdelay $0x3  }
0x92: {  	_ =	strace s18  }
0x93: {  	s3 =	sld [smem:$0x3FFC];
	_ =	sdelay $0x3  }
0x94: {  	_ =	strace s3  }
0x95: {  	s3 =	sld [smem:$0x3FFD];
	_ =	sdelay $0x3  }
0x96: {  	_ =	strace s3  }
0x97: {  	_ =	strace $0x8FFFFFFF  }
0x98: {  	s19 =	sld [smem:$0x3FDB];
	_ =	sdelay $0x1  }
0x99: {  	s4 =	simm.s32 $_scs_section_size  }
0x9a: {  	s5 =	simm.s32 $_size__tile_overlayer_lowered;
	s6 =	simm.s32 $_tile_overlayer_lowered  }
0x9b: {  	s22 =	simm.s32 $0x1BFF;
	s21 =	sshll.u32 s6, $0x1;
	s3 =	sadd.s32 s4, s19  }
0x9c: {  	s7 =	simm.s32 $0x0;
	s20 =	sshll.u32 s5, $0x1;
	s5 =	sadd.s32 s21, s3  }
0x9d: {  	[timem:s7], [sflag:s22] =	dma.local [hbm:s5], s20  }
0x9e: {  	_ =	swait.ge [sflag:s22], s20  }
0x9f: {  	s4 =	ssub.s32 $0x0, s20;
	[sflag:s22] =	ssyncset.done $0x0  }
0xa0: {  	[sflag:s22] =	ssyncadd.s32 s4;
	_ =	sdelay $0x1  }
0xa1: {  	s23 =	simm.s32 $0x1B8B  }
0xa2: {  	_ =	swait.ge [sflag:s23], $0x1  }
0xa3: {  	[sflag:s23] =	ssyncset.done $0x0  }
0xa4: {  	s25 =	simm.s32 $0x1B8E;
	s24 =	sld [smem:$0x3FFE];
	[sflag:s23] =	ssyncadd.s32 $0xFFFFFFFF  }
0xa5: {  	s26 =	simm.s32 $execute0_lowered;
	[smem:$0x3FD2] =	sst s25  }
0xa6: {  	s5 =	sshll.u32 s26, $0x1;
	_ =	strace $0x80000046;
	[dreg:$0x1] =	wrdreg $0xFFFFFFFF  }
0xa7: {  	s28 =	simm.s32 $_size_execute0_lowered;
	s3 =	sadd.s32 s3, s5;
	[dreg:$0x0] =	wrdreg $0x0  }
0xa8: {  	s5 =	sshll.u32 s28, $0x1;
	[dreg:$0x2] =	wrdreg s3  }
0xa9: {  	[dreg:$0x3] =	wrdreg s5  }
0xaa: {  	[dreg:$0x4] =	wrdreg $0xC0  }
0xab: {  	_ =	task [dreg:s7], $0x5FFFF  }
0xac: {  	[dreg:$0x1] =	wrdreg $0xFFFFFFFF  }
0xad: {  	[dreg:$0x0] =	wrdreg $0x60  }
0xae: {  	[dreg:$0x2] =	wrdreg s24  }
0xaf: {  	[dreg:$0x3] =	wrdreg s2  }
0xb0: {  	[dreg:$0x4] =	wrdreg $0x9  }
0xb1: {  	_ =	task.clear_ibuf [dreg:s7], $0x5FFFF;
	_ =	strace $0x90000046  }
0xb2: {  	s29 =	simm.s32 $0x9;
	_ =	strace $0x80000048  }
0xb3: {  	_ =	swait.ge [sflag:s29], $0x1  }
0xb4: {  	[sflag:s29] =	ssyncadd.s32 $0xFFFFFFFF  }
0xb5: {  	_ =	strace $0x90000048  }
0xb6: {  	_ =	sfence  }
0xb7: {  	s30 =	sld [smem:$0x0];
	_ =	sdelay $0x2  }
0xb8: {  	s31 =	sshll.u32 s1, $0xD;
	s1 =	sshrl.u32 s1, $0x2  }
0xb9: {  	s3 =	sand.u32 $0x4000, s31;
	s1 =	sadd.s32 s1, s30  }
0xba: {  	s0 =	sor.u32 s3, s0;
	s1 =	sshll.u32 s1, $0x11  }
0xbb: {  	s0 =	sor.u32 s1, s0  }
0xbc: {  	s0 =	sadd.s32 $0x8F2B, s0  }
0xbd: {  	[sflag:s0] =	ssyncadd.remote.s32 $0x1  }
0xbe: {  	_ =	sfence.sel $0xFFFF  }
0xbf: {  	[dreg:$0x0] =	wrdreg $0xFFFFFFFF;
	(pc) =	sbr.abs _section_cstart, $3  }
0xc0: {  	[dreg:$0x1] =	wrdreg $0xFFFFFFFF  }
0xc1: {  	_ =	task.clear_ibuf [dreg:s7], $0x2FFFF;
	_ =	strace $0x9FFFFFFF  }
0xc2: {  	(tm) =	ssettm $0x7FFFFFFF  }
0xc3: {  	_ =	shalt  }
tec
execute0_lowered:
.L_overlay_start_1:
0x0: {  	(tag) =	ssettag $0x1  }
0x1: {  	s0 =	rddreg [dreg:$0x0]  }
0x2: {  	s1 =	rddreg [dreg:$0x1];
	s2 =	simm.s32 $0x0;
	s3 =	srdreg.scid  }
0x3: {  	s7 =	stileid.u32;
	s8 =	simm.s32 $0x3;
	s9 =	simm.s32 $0x200  }
0x4: {  	s10 =	simm.s32 $0x800;
	s11 =	simm.s32 $0x1800;
	s12 =	simm.s32 $0xA00  }
0x5: {  	s13 =	simm.s32 $0x5800;
	s14 =	simm.s32 $0xB800;
	s15 =	simm.s32 $0xC000  }
0x6: {  	s16 =	simm.s32 $0xD000;
	s17 =	simm.s32 $0xC200;
	s18 =	simm.s32 $0x11000  }
0x7: {  	s19 =	simm.s32 $0x1;
	s20 =	simm.s32 $0x9800;
	s3 =	sand.u32 $0x1, s3  }
0x8: {  	v0 =	vlaneseq.u32;
	s21 =	simm.s32 $0x2;
	s22 =	simm.s32 $0x15000;
	s6 =	ssub.s32 $0x2, s3  }
0x9: {  	[smem:$0x7FF] =	sst s2;
	s4 =	sadd.s32 $0x2000400, s0;
	v2 =	vand.u32 $0x3, v0;
	s30 =	sshrl.u32 s6, $0x1  }
0xa: {  	s5 =	sadd.s32 $0x400, s0;
	s31 =	sshll.u32 s7, $0x10;
	v1 =	vmul.u32 $0x2, v0;
	v2 =	vmul.u32 $0x2, v2;
	s0 =	ssub.s32 s6, s30  }
0xb: {  	_ =	strace $0x80000047;
	s3 =	sshll.u32 s3, $0xF;
	s0 =	smax.u32 s0, $0x1  }
0xc: {  	v4 =	vimm.s32 $0x0;
	v3 =	vor.u32 $0x1, v1;
	s6 =	sor.u32 s3, s31;
	v2 =	vor.u32 $0xFFFFFFF8, v2;
	s3 =	simm.s32 $0x0;
	[dreg:$0x3] =	wrdreg s0  }
.LBB2_1:
0xd: {  	[dreg:$0x4] =	wrdreg s3;
	s24 =	simm.s32 $0x0  }
.LBB2_2:
0xe: {  	s0 =	sshll.u32 s24, $0xB  }
0xf: {  	s26 =	sor.u32 s6, s0  }
0x10: {  	s3 =	simm.s32 $0x0;
	s0 =	sshrl.u32 s26, $0x2  }
0x11: {  	v5 =	vor.u32 s3, v3;
	v6 =	vor.u32 s3, v1;
	s0 =	sadd.s32 s1, s0  }
0x12: {  	v6 =	vand.u32 v2, v6;
	[tilespmem:s3], [sflag:$0x3] =	stream.linear.gather [hbm4b:s0+s3], $0x800, $0x38;
	[tilespmem:$0x17000] =	vst v63  }
0x13: {  	_ =	swait.ge [sflag:s8], $0x800  }
0x14: {  	[sflag:s8] =	ssyncset.done $0x0  }
0x15: {  	[sflag:s8] =	ssyncadd.s32 $0xFFFFF800  }
0x16: {  	v5 =	vld.idx.msk [tilespmem:v5+s2+$0x0], $0xffff  }
0x17: {  	v6 =	vld.idx.msk [tilespmem:v6+s2+$0x0], $0xffff;
	_ =	sdelay $0x3  }
0x18: {  	v5 =	vmul.f32 $2.048000000e+03, v5  }
0x19: {  	v6 =	vmul.f32 $2.048000000e+03, v6  }
0x1a: {  	v7 =	vadd.f32 $-5.000000000e-01, v5  }
0x1b: {  	v5 =	vadd.f32 $-5.000000000e-01, v6  }
0x1c: {  	v6 =	vtrunc.f32 v7  }
0x1d: {  	v8 =	vtrunc.f32 v5;
	v9 =	vcvt.f32.s32 v6  }
0x1e: {  	vm0 =	vlt.f32 v7, v6;
	v6 =	vcvt.f32.s32 v8;
	vm1 =	vlt.f32 v5, v8  }
0x1f: {  	v8 =	vsel vm0, $0xFFFFFFFF, v4;
	v10 =	vsel vm1, $0xFFFFFFFF, v4  }
0x20: {  	v8 =	vadd.s32 v9, v8;
	v6 =	vadd.s32 v6, v10  }
0x21: {  	v9 =	vshll.u32 v8, $0xA;
	v10 =	vshrl.u32 v6, $0x1  }
0x22: {  	v11 =	vcvt.s32.f32 v6;
	v9 =	vand.u32 $0x1FFC00, v9;
	v10 =	vand.u32 $0x3FF, v10  }
0x23: {  	s28 =	simm.s32 $0x800;
	v6 =	vshll.u32 v6, $0x2;
	v9 =	vor.u32 v10, v9  }
0x24: {  	s25 =	simm.s32 $0xC00;
	s23 =	simm.s32 $0x20;
	v63 =	vsub.f32 v5, v11;
	v5 =	vand.u32 $0x4, v6;
	[tilespmem:s28+$0x0] =	vst v9  }
0x25: {  	v8 =	vcvt.s32.f32 v8;
	v6 =	vor.u32 s23, v1;
	[tilespmem:s25+$0x0] =	vst v5;
	v5 =	vor.u32 s23, v3  }
0x26: {  	s29 =	simm.s32 $0x1000;
	s31 =	simm.s32 $0x1400;
	v6 =	vand.u32 v2, v6  }
0x27: {  	s30 =	simm.s32 $0x1010;
	s0 =	simm.s32 $0x40;
	v7 =	vsub.f32 v7, v8;
	[tilespmem:s29+$0x0] =	vst v63;
	s29 =	simm.s32 $0x1410  }
.LBB2_3:
0x28: {  	s28 =	sadd.s32 $0x10, s28;
	s25 =	sadd.s32 $0x10, s25  }
0x29: {  	[tilespmem:s31+$0x0] =	vst v7;
	s3 =	smov.u32 s0;
	s7 =	sadd.s32 $0x20, s0;
	s31 =	smov.u32 s29  }
0x2a: {  	p0 =	sne.s32 s0, $0x7E0;
	v5 =	vld.idx.msk [tilespmem:v5+s2+$0x0], $0xffff  }
0x2b: {  	v6 =	vld.idx.msk [tilespmem:v6+s2+$0x0], $0xffff;
	_ =	sdelay $0x4  }
0x2c: {  	v5 =	vmul.f32 $2.048000000e+03, v5  }
0x2d: {  	v6 =	vmul.f32 $2.048000000e+03, v6  }
0x2e: {  	v7 =	vadd.f32 $-5.000000000e-01, v5  }
0x2f: {  	v6 =	vadd.f32 $-5.000000000e-01, v6  }
0x30: {  	v5 =	vtrunc.f32 v7  }
0x31: {  	v8 =	vtrunc.f32 v6;
	v9 =	vcvt.f32.s32 v5;
	vm0 =	vlt.f32 v7, v5  }
0x32: {  	v10 =	vcvt.f32.s32 v8;
	vm1 =	vlt.f32 v6, v8;
	v8 =	vsel vm0, $0xFFFFFFFF, v4  }
0x33: {  	v5 =	vor.u32 s3, v3;
	v11 =	vsel vm1, $0xFFFFFFFF, v4;
	v8 =	vadd.s32 v9, v8  }
0x34: {  	v9 =	vadd.s32 v10, v11;
	v10 =	vcvt.s32.f32 v8;
	v8 =	vshll.u32 v8, $0xA  }
0x35: {  	v11 =	vcvt.s32.f32 v9;
	v12 =	vshrl.u32 v9, $0x1;
	v9 =	vshll.u32 v9, $0x2  }
.Ltmp0:
0x36: {  	v8 =	vand.u32 $0x1FFC00, v8;
	v7 =	vsub.f32 v7, v10;
	v10 =	vand.u32 $0x3FF, v12;
	(pc) =	sbr.rel @p0 .LBB2_3-.Ltmp0, $4  }
0x37: {  	v12 =	vor.u32 s3, v1;
	v11 =	vsub.f32 v6, v11;
	v8 =	vor.u32 v10, v8  }
0x38: {  	v6 =	vand.u32 v2, v12;
	[tilespmem:s28+$0x0] =	vst v8;
	v8 =	vand.u32 $0x4, v9  }
0x39: {  	[tilespmem:s25+$0x0] =	vst v8  }
0x3a: {  	s29 =	sadd.s32 $0x10, s29;
	s0 =	smov.u32 s7;
	[tilespmem:s30+$0x0] =	vst v11;
	s30 =	sadd.s32 $0x10, s30  }
0x3b: {  	_ =	sdelay $0x2  }
0x3c: {  	[tilespmem:s31+$0x0] =	vst v7  }
0x3d: {  	v5 =	vld.idx.msk [tilespmem:v5+s2+$0x0], $0xffff  }
0x3e: {  	v6 =	vld.idx.msk [tilespmem:v6+s2+$0x0], $0xffff;
	_ =	sdelay $0x3  }
0x3f: {  	v5 =	vmul.f32 $2.048000000e+03, v5  }
0x40: {  	v6 =	vmul.f32 $2.048000000e+03, v6  }
0x41: {  	v5 =	vadd.f32 $-5.000000000e-01, v5  }
0x42: {  	v6 =	vadd.f32 $-5.000000000e-01, v6  }
0x43: {  	v7 =	vtrunc.f32 v5  }
0x44: {  	v8 =	vtrunc.f32 v6;
	v9 =	vcvt.f32.s32 v7  }
0x45: {  	vm0 =	vlt.f32 v5, v7;
	v7 =	vcvt.f32.s32 v8;
	vm1 =	vlt.f32 v6, v8  }
0x46: {  	v8 =	vsel vm0, $0xFFFFFFFF, v4;
	v10 =	vsel vm1, $0xFFFFFFFF, v4  }
0x47: {  	v8 =	vadd.s32 v9, v8;
	v7 =	vadd.s32 v7, v10  }
0x48: {  	v9 =	vshll.u32 v8, $0xA;
	v10 =	vshrl.u32 v7, $0x1  }
0x49: {  	v11 =	vcvt.s32.f32 v7;
	v9 =	vand.u32 $0x1FFC00, v9;
	v10 =	vand.u32 $0x3FF, v10  }
0x4a: {  	s0 =	sadd.s32 $0x10, s28;
	v8 =	vcvt.s32.f32 v8;
	v7 =	vshll.u32 v7, $0x2;
	v9 =	vor.u32 v10, v9  }
0x4b: {  	s3 =	sadd.s32 $0x10, s25;
	v7 =	vand.u32 $0x4, v7;
	v6 =	vsub.f32 v6, v11;
	[tilespmem:s0+$0x0] =	vst v9  }
0x4c: {  	v5 =	vsub.f32 v5, v8;
	[tilespmem:s3+$0x0] =	vst v7  }
0x4d: {  	[tilespmem:s30+$0x0] =	vst v6  }
0x4e: {  	s25 =	sor.u32 $0x400, s26;
	[tilespmem:s29+$0x0] =	vst v5  }
0x4f: {  	[tilespmem:s11], [sflag:$0x1] =	stream.indirect.gather [hbm4b:s4+s9], $0x20, s10, s9, $0xb8;
	[tilespmem:$0x17000] =	vst v63  }
0x50: {  	s23 =	simm.s32 $0x0;
	s7 =	sshrl.u32 s25, $0x2  }
0x51: {  	[tilespmem:s13], [sflag:$0x1] =	stream.indirect.gather [hbm4b:s4+s9], $0x20, s12, s9, $0xb8;
	[tilespmem:$0x17000] =	vst v63  }
0x52: {  	s0 =	sadd.s32 s1, s7;
	v6 =	vor.u32 s23, v1;
	v5 =	vor.u32 s23, v3  }
0x53: {  	v6 =	vand.u32 v2, v6;
	[tilespmem:s14], [sflag:$0x3] =	stream.linear.gather [hbm4b:s0+s23], $0x800, $0x38;
	[tilespmem:$0x17000] =	vst v63  }
0x54: {  	_ =	swait.ge [sflag:s8], $0x800  }
0x55: {  	[sflag:s8] =	ssyncset.done $0x0  }
0x56: {  	[sflag:s8] =	ssyncadd.s32 $0xFFFFF800  }
0x57: {  	v5 =	vld.idx.msk [tilespmem:v5+s14+$0x0], $0xffff  }
0x58: {  	v6 =	vld.idx.msk [tilespmem:v6+s14+$0x0], $0xffff;
	_ =	sdelay $0x3  }
0x59: {  	v5 =	vmul.f32 $2.048000000e+03, v5  }
0x5a: {  	v6 =	vmul.f32 $2.048000000e+03, v6  }
0x5b: {  	v7 =	vadd.f32 $-5.000000000e-01, v5  }
0x5c: {  	v5 =	vadd.f32 $-5.000000000e-01, v6  }
0x5d: {  	v6 =	vtrunc.f32 v7  }
0x5e: {  	v8 =	vtrunc.f32 v5;
	v60 =	vcvt.f32.s32 v6  }
0x5f: {  	vm14 =	vlt.f32 v7, v6;
	v6 =	vcvt.f32.s32 v8;
	vm15 =	vlt.f32 v5, v8  }
0x60: {  	v8 =	vsel vm14, $0xFFFFFFFF, v4;
	v61 =	vsel vm15, $0xFFFFFFFF, v4  }
0x61: {  	v8 =	vadd.s32 v60, v8;
	v6 =	vadd.s32 v6, v61  }
0x62: {  	v9 =	vshll.u32 v8, $0xA;
	v10 =	vshrl.u32 v6, $0x1  }
0x63: {  	v62 =	vcvt.s32.f32 v6;
	v9 =	vand.u32 $0x1FFC00, v9;
	v10 =	vand.u32 $0x3FF, v10  }
0x64: {  	s29 =	simm.s32 $0xC000;
	v6 =	vshll.u32 v6, $0x2;
	v9 =	vor.u32 v10, v9  }
0x65: {  	s28 =	simm.s32 $0xC400;
	s7 =	simm.s32 $0x20;
	v63 =	vsub.f32 v5, v62;
	v5 =	vand.u32 $0x4, v6;
	[tilespmem:s29+$0x0] =	vst v9  }
0x66: {  	v8 =	vcvt.s32.f32 v8;
	v6 =	vor.u32 s7, v1;
	[tilespmem:s28+$0x0] =	vst v5;
	v5 =	vor.u32 s7, v3  }
0x67: {  	s31 =	simm.s32 $0xC810;
	s30 =	simm.s32 $0xC800;
	v6 =	vand.u32 v2, v6  }
0x68: {  	s3 =	simm.s32 $0x40;
	s0 =	simm.s32 $0xCC00;
	v7 =	vsub.f32 v7, v8;
	[tilespmem:s30+$0x0] =	vst v63;
	s30 =	simm.s32 $0xCC10  }
.LBB2_5:
0x69: {  	s29 =	sadd.s32 $0x10, s29;
	s28 =	sadd.s32 $0x10, s28  }
0x6a: {  	[tilespmem:s0+$0x0] =	vst v7;
	s7 =	smov.u32 s3;
	s23 =	sadd.s32 $0x20, s3;
	s0 =	smov.u32 s30  }
0x6b: {  	p0 =	sne.s32 s3, $0x7E0;
	v5 =	vld.idx.msk [tilespmem:v5+s14+$0x0], $0xffff  }
0x6c: {  	v6 =	vld.idx.msk [tilespmem:v6+s14+$0x0], $0xffff;
	_ =	sdelay $0x4  }
0x6d: {  	v5 =	vmul.f32 $2.048000000e+03, v5  }
0x6e: {  	v6 =	vmul.f32 $2.048000000e+03, v6  }
0x6f: {  	v7 =	vadd.f32 $-5.000000000e-01, v5  }
0x70: {  	v6 =	vadd.f32 $-5.000000000e-01, v6  }
0x71: {  	v5 =	vtrunc.f32 v7  }
0x72: {  	v8 =	vtrunc.f32 v6;
	v9 =	vcvt.f32.s32 v5;
	vm0 =	vlt.f32 v7, v5  }
0x73: {  	v10 =	vcvt.f32.s32 v8;
	vm1 =	vlt.f32 v6, v8;
	v8 =	vsel vm0, $0xFFFFFFFF, v4  }
0x74: {  	v5 =	vor.u32 s7, v3;
	v11 =	vsel vm1, $0xFFFFFFFF, v4;
	v8 =	vadd.s32 v9, v8  }
0x75: {  	v9 =	vadd.s32 v10, v11;
	v10 =	vcvt.s32.f32 v8;
	v8 =	vshll.u32 v8, $0xA  }
0x76: {  	v11 =	vcvt.s32.f32 v9;
	v12 =	vshrl.u32 v9, $0x1;
	v9 =	vshll.u32 v9, $0x2  }
.Ltmp1:
0x77: {  	v8 =	vand.u32 $0x1FFC00, v8;
	v7 =	vsub.f32 v7, v10;
	v10 =	vand.u32 $0x3FF, v12;
	(pc) =	sbr.rel @p0 .LBB2_5-.Ltmp1, $4  }
0x78: {  	v12 =	vor.u32 s7, v1;
	v11 =	vsub.f32 v6, v11;
	v8 =	vor.u32 v10, v8  }
0x79: {  	v6 =	vand.u32 v2, v12;
	[tilespmem:s29+$0x0] =	vst v8;
	v8 =	vand.u32 $0x4, v9  }
0x7a: {  	[tilespmem:s28+$0x0] =	vst v8  }
0x7b: {  	s30 =	sadd.s32 $0x10, s30;
	s3 =	smov.u32 s23;
	[tilespmem:s31+$0x0] =	vst v11;
	s31 =	sadd.s32 $0x10, s31  }
0x7c: {  	_ =	sdelay $0x2  }
0x7d: {  	[tilespmem:s0+$0x0] =	vst v7  }
0x7e: {  	v5 =	vld.idx.msk [tilespmem:v5+s14+$0x0], $0xffff  }
0x7f: {  	v6 =	vld.idx.msk [tilespmem:v6+s14+$0x0], $0xffff;
	_ =	sdelay $0x3  }
0x80: {  	v5 =	vmul.f32 $2.048000000e+03, v5  }
0x81: {  	v6 =	vmul.f32 $2.048000000e+03, v6  }
0x82: {  	v5 =	vadd.f32 $-5.000000000e-01, v5  }
0x83: {  	v6 =	vadd.f32 $-5.000000000e-01, v6  }
0x84: {  	v7 =	vtrunc.f32 v5  }
0x85: {  	v8 =	vtrunc.f32 v6;
	v9 =	vcvt.f32.s32 v7  }
0x86: {  	vm0 =	vlt.f32 v5, v7;
	v7 =	vcvt.f32.s32 v8;
	vm1 =	vlt.f32 v6, v8  }
0x87: {  	v8 =	vsel vm0, $0xFFFFFFFF, v4;
	v10 =	vsel vm1, $0xFFFFFFFF, v4  }
0x88: {  	v8 =	vadd.s32 v9, v8;
	v7 =	vadd.s32 v7, v10  }
0x89: {  	v9 =	vshll.u32 v8, $0xA;
	v10 =	vshrl.u32 v7, $0x1  }
0x8a: {  	v11 =	vcvt.s32.f32 v7;
	v9 =	vand.u32 $0x1FFC00, v9;
	v10 =	vand.u32 $0x3FF, v10  }
0x8b: {  	s7 =	sadd.s32 $0x10, s29;
	v8 =	vcvt.s32.f32 v8;
	v7 =	vshll.u32 v7, $0x2;
	v9 =	vor.u32 v10, v9  }
0x8c: {  	s3 =	sadd.s32 $0x10, s28;
	v7 =	vand.u32 $0x4, v7;
	v6 =	vsub.f32 v6, v11;
	[tilespmem:s7+$0x0] =	vst v9  }
0x8d: {  	v5 =	vsub.f32 v5, v8;
	[tilespmem:s3+$0x0] =	vst v7  }
0x8e: {  	[tilespmem:s31+$0x0] =	vst v6  }
0x8f: {  	[tilespmem:s30+$0x0] =	vst v5  }
0x90: {  	[tilespmem:s16], [sflag:$0x2] =	stream.indirect.gather [hbm4b:s4+s9], $0x20, s15, s9, $0xb8;
	[tilespmem:$0x17000] =	vst v63  }
0x91: {  	_ = 	snop  }
0x92: {  	[tilespmem:s18], [sflag:$0x2] =	stream.indirect.gather [hbm4b:s4+s9], $0x20, s17, s9, $0xb8;
	[tilespmem:$0x17000] =	vst v63  }
0x93: {  	_ =	swait.ge [sflag:s19], $0x4000  }
0x94: {  	[sflag:s19] =	ssyncset.done $0x0  }
0x95: {  	[sflag:s19] =	ssyncadd.s32 $0xFFFFC000  }
0x96: {  	_ =	swait.ge [sflag:s19], $0x4000  }
0x97: {  	[sflag:s19] =	ssyncset.done $0x0  }
0x98: {  	s28 =	simm.s32 $0xC00;
	[sflag:s19] =	ssyncadd.s32 $0xFFFFC000  }
0x99: {  	v9 =	vld [tilespmem:s28+$0x0];
	_ =	sdelay $0x2  }
0x9a: {  	s23 =	simm.s32 $0x0  }
0x9b: {  	v8 =	vor.u32 s23, v0  }
0x9c: {  	v10 =	vshll.u32 v8, $0x5;
	v5 =	vand.u32 $0xFFFFFFF8, v9;
	v6 =	vadd.s32 $0x4, v9  }
0x9d: {  	v7 =	vand.u32 $0x7, v9;
	v5 =	vadd.s32 v10, v5;
	v11 =	vand.u32 $0xFFFFFFF8, v6  }
0x9e: {  	s30 =	simm.s32 $0x1000;
	v6 =	vand.u32 $0x7, v6;
	v5 =	vor.u32 v7, v5;
	v7 =	vadd.s32 v10, v11  }
0x9f: {  	s29 =	simm.s32 $0x1400;
	v12 =	vld [tilespmem:s30+$0x0];
	v6 =	vor.u32 v6, v7  }
0xa0: {  	v11 =	vadd.s32 $0x14, v9;
	v7 =	vld [tilespmem:s29+$0x0]  }
0xa1: {  	v13 =	vadd.s32 $0x10, v5;
	v14 =	vand.u32 $0xFFFFFFF8, v11  }
0xa2: {  	v11 =	vand.u32 $0x7, v11;
	v14 =	vadd.s32 v10, v14  }
0xa3: {  	v11 =	vor.u32 v11, v14;
	v14 =	vld.idx.msk [tilespmem:v5+s11+$0x0], $0xffff  }
0xa4: {  	v15 =	vld.idx.msk [tilespmem:v6+s11+$0x0], $0xffff  }
0xa5: {  	v6 =	vsub.f32 $1.000000000e+00, v12;
	v5 =	vsub.f32 $1.000000000e+00, v7  }
0xa6: {  	v13 =	vld.idx.msk [tilespmem:v13+s11+$0x0], $0xffff  }
0xa7: {  	v8 =	vshll.u32 v8, $0x3;
	v17 =	vmul.f32 v5, v6;
	v5 =	vmul.f32 v5, v12  }
0xa8: {  	v16 =	vadd.s32 $0x1, v9;
	v19 =	vadd.s32 $0x5, v9;
	v11 =	vld.idx.msk [tilespmem:v11+s11+$0x0], $0xffff;
	v6 =	vmul.f32 v7, v6  }
0xa9: {  	v18 =	vand.u32 $0xFFFFFFF8, v16;
	v14 =	vmul.f32 v17, v14;
	v15 =	vmul.f32 v5, v15  }
0xaa: {  	v21 =	vadd.s32 $0x11, v9;
	v20 =	vand.u32 $0xFFFFFFF8, v19;
	v18 =	vadd.s32 v10, v18  }
0xab: {  	v7 =	vmul.f32 v7, v12;
	v13 =	vmul.f32 v13, v6;
	v12 =	vadd.f32 v15, v14  }
0xac: {  	v20 =	vadd.s32 v10, v20;
	v14 =	vand.u32 $0x7, v16;
	v15 =	vand.u32 $0x7, v19  }
0xad: {  	v11 =	vmul.f32 v11, v7;
	v12 =	vadd.f32 v13, v12;
	v13 =	vor.u32 v14, v18  }
0xae: {  	v50 =	vadd.s32 $0x15, v9;
	v15 =	vor.u32 v15, v20;
	v14 =	vand.u32 $0xFFFFFFF8, v21  }
0xaf: {  	v14 =	vadd.s32 v10, v14;
	v11 =	vadd.f32 v11, v12;
	v12 =	vand.u32 $0x7, v21  }
0xb0: {  	v51 =	vand.u32 $0xFFFFFFF8, v50;
	v12 =	vor.u32 v12, v14  }
0xb1: {  	v14 =	vadd.s32 v10, v51;
	[tilespmem:v8+s20+$0x0] =	vst.idx.msk $0xffff, v11;
	v11 =	vand.u32 $0x7, v50  }
0xb2: {  	v13 =	vld.idx.msk [tilespmem:v13+s11+$0x0], $0xffff;
	v11 =	vor.u32 v11, v14  }
0xb3: {  	v14 =	vld.idx.msk [tilespmem:v15+s11+$0x0], $0xffff;
	_ =	sdelay $0x1  }
0xb4: {  	v12 =	vld.idx.msk [tilespmem:v12+s11+$0x0], $0xffff;
	_ =	sdelay $0x1  }
0xb5: {  	v53 =	vadd.s32 $0x6, v9;
	v55 =	vadd.s32 $0x12, v9;
	v11 =	vld.idx.msk [tilespmem:v11+s11+$0x0], $0xffff  }
0xb6: {  	v54 =	vand.u32 $0xFFFFFFF8, v53;
	v13 =	vmul.f32 v13, v17;
	v14 =	vmul.f32 v14, v5  }
0xb7: {  	v19 =	vadd.s32 v10, v54;
	v18 =	vand.u32 $0x7, v53;
	v15 =	vadd.s32 $0x2, v9  }
0xb8: {  	v52 =	vand.u32 $0xFFFFFFF8, v15;
	v13 =	vadd.f32 v14, v13;
	v12 =	vmul.f32 v12, v6  }
0xb9: {  	v15 =	vand.u32 $0x7, v15;
	v16 =	vadd.s32 v10, v52;
	v14 =	vor.u32 $0x1, v8  }
0xba: {  	v12 =	vadd.f32 v12, v13;
	v11 =	vmul.f32 v11, v7;
	v13 =	vor.u32 v15, v16  }
0xbb: {  	v56 =	vand.u32 $0xFFFFFFF8, v55;
	v18 =	vor.u32 v18, v19;
	v15 =	vadd.s32 $0x16, v9  }
0xbc: {  	v16 =	vadd.s32 v10, v56;
	v11 =	vadd.f32 v11, v12;
	v12 =	vand.u32 $0x7, v55  }
0xbd: {  	v57 =	vand.u32 $0xFFFFFFF8, v15;
	v12 =	vor.u32 v12, v16  }
0xbe: {  	v58 =	vadd.s32 v10, v57;
	[tilespmem:v14+s20+$0x0] =	vst.idx.msk $0xffff, v11;
	v11 =	vand.u32 $0x7, v15  }
0xbf: {  	v13 =	vld.idx.msk [tilespmem:v13+s11+$0x0], $0xffff;
	v11 =	vor.u32 v11, v58  }
0xc0: {  	v14 =	vld.idx.msk [tilespmem:v18+s11+$0x0], $0xffff;
	_ =	sdelay $0x1  }
0xc1: {  	v12 =	vld.idx.msk [tilespmem:v12+s11+$0x0], $0xffff  }
0xc2: {  	v59 =	vadd.s32 $0x7, v9  }
0xc3: {  	v62 =	vor.u32 $0x2, v8;
	v61 =	vand.u32 $0xFFFFFFF8, v59;
	v15 =	vadd.s32 $0x3, v9;
	v11 =	vld.idx.msk [tilespmem:v11+s11+$0x0], $0xffff  }
0xc4: {  	v60 =	vand.u32 $0xFFFFFFF8, v15;
	v13 =	vmul.f32 v13, v17;
	v14 =	vmul.f32 v14, v5  }
0xc5: {  	v16 =	vand.u32 $0x7, v59;
	v15 =	vand.u32 $0x7, v15;
	v18 =	vadd.s32 v10, v60  }
0xc6: {  	v13 =	vadd.f32 v14, v13;
	v14 =	vadd.s32 $0x13, v9;
	v12 =	vmul.f32 v12, v6  }
0xc7: {  	v15 =	vor.u32 v15, v18;
	v9 =	vadd.s32 $0x17, v9;
	v63 =	vand.u32 $0xFFFFFFF8, v14  }
0xc8: {  	v12 =	vadd.f32 v12, v13;
	v11 =	vmul.f32 v11, v7;
	v13 =	vadd.s32 v10, v61  }
0xc9: {  	v14 =	vand.u32 $0x7, v14;
	v18 =	vadd.s32 v10, v63;
	v13 =	vor.u32 v16, v13  }
0xca: {  	v14 =	vor.u32 v14, v18;
	v11 =	vadd.f32 v11, v12;
	v12 =	vand.u32 $0xFFFFFFF8, v9  }
0xcb: {  	v9 =	vand.u32 $0x7, v9;
	v10 =	vadd.s32 v10, v12  }
0xcc: {  	[tilespmem:v62+s20+$0x0] =	vst.idx.msk $0xffff, v11;
	v9 =	vor.u32 v9, v10  }
0xcd: {  	v15 =	vld.idx.msk [tilespmem:v15+s11+$0x0], $0xffff  }
0xce: {  	v12 =	vld.idx.msk [tilespmem:v13+s11+$0x0], $0xffff  }
0xcf: {  	v11 =	vld.idx.msk [tilespmem:v14+s11+$0x0], $0xffff;
	_ =	sdelay $0x1  }
0xd0: {  	v10 =	vld.idx.msk [tilespmem:v9+s11+$0x0], $0xffff  }
0xd1: {  	s31 =	simm.s32 $0x10;
	v9 =	vmul.f32 v15, v17  }
.LBB2_7:
0xd2: {  	v5 =	vmul.f32 v12, v5;
	s28 =	sadd.s32 $0x10, s28;
	s30 =	sadd.s32 $0x10, s30;
	s29 =	sadd.s32 $0x10, s29  }
0xd3: {  	p0 =	sne.s32 s31, $0x3F0;
	v6 =	vmul.f32 v11, v6;
	s0 =	smov.u32 s31;
	s31 =	sadd.s32 $0x10, s31  }
0xd4: {  	v8 =	vor.u32 $0x3, v8;
	v5 =	vadd.f32 v5, v9  }
0xd5: {  	v7 =	vmul.f32 v10, v7  }
0xd6: {  	v5 =	vadd.f32 v6, v5;
	_ =	sdelay $0x1  }
0xd7: {  	v5 =	vadd.f32 v7, v5;
	_ =	sdelay $0x1  }
0xd8: {  	[tilespmem:v8+s20+$0x0] =	vst.idx.msk $0xffff, v5  }
0xd9: {  	v8 =	vor.u32 s0, v0;
	v10 =	vld [tilespmem:s28+$0x0];
	_ =	sdelay $0x1  }
0xda: {  	v11 =	vshll.u32 v8, $0x5;
	_ =	sdelay $0x2  }
0xdb: {  	v5 =	vand.u32 $0xFFFFFFF8, v10;
	v6 =	vand.u32 $0x7, v10;
	v7 =	vadd.s32 $0x4, v10  }
0xdc: {  	v5 =	vadd.s32 v11, v5;
	v9 =	vand.u32 $0xFFFFFFF8, v7;
	v7 =	vand.u32 $0x7, v7  }
0xdd: {  	v5 =	vor.u32 v6, v5;
	v6 =	vadd.s32 v11, v9;
	v9 =	vadd.s32 $0x14, v10  }
0xde: {  	v6 =	vor.u32 v7, v6;
	v7 =	vadd.s32 $0x10, v5;
	v12 =	vand.u32 $0xFFFFFFF8, v9  }
0xdf: {  	v14 =	vadd.s32 $0x1, v10;
	v9 =	vand.u32 $0x7, v9;
	v13 =	vld [tilespmem:s29+$0x0];
	v12 =	vadd.s32 v11, v12  }
0xe0: {  	v16 =	vadd.s32 $0x5, v10;
	v15 =	vld [tilespmem:s30+$0x0];
	v12 =	vor.u32 v9, v12;
	v9 =	vand.u32 $0xFFFFFFF8, v14  }
0xe1: {  	v18 =	vadd.s32 $0x11, v10;
	v17 =	vadd.s32 v11, v9;
	v9 =	vand.u32 $0xFFFFFFF8, v16  }
0xe2: {  	v21 =	vadd.s32 $0x15, v10;
	v19 =	vld.idx.msk [tilespmem:v5+s11+$0x0], $0xffff;
	v20 =	vadd.s32 v11, v9;
	v5 =	vand.u32 $0xFFFFFFF8, v18  }
0xe3: {  	v24 =	vadd.s32 $0x2, v10;
	v22 =	vld.idx.msk [tilespmem:v6+s11+$0x0], $0xffff;
	v23 =	vadd.s32 v11, v5;
	v5 =	vand.u32 $0xFFFFFFF8, v21  }
0xe4: {  	v26 =	vadd.s32 $0x6, v10;
	v25 =	vadd.s32 v11, v5;
	v5 =	vand.u32 $0xFFFFFFF8, v24  }
0xe5: {  	v27 =	vsub.f32 $1.000000000e+00, v13;
	v6 =	vsub.f32 $1.000000000e+00, v15;
	v28 =	vld.idx.msk [tilespmem:v7+s11+$0x0], $0xffff;
	v29 =	vadd.s32 v11, v5  }
0xe6: {  	v30 =	vadd.s32 $0x12, v10;
	v31 =	vadd.s32 $0x16, v10;
	v7 =	vand.u32 $0xFFFFFFF8, v26  }
0xe7: {  	v5 =	vmul.f32 v27, v15;
	v9 =	vmul.f32 v27, v6;
	v12 =	vld.idx.msk [tilespmem:v12+s11+$0x0], $0xffff;
	v27 =	vadd.s32 v11, v7  }
0xe8: {  	v32 =	vand.u32 $0xFFFFFFF8, v31;
	v6 =	vmul.f32 v13, v6;
	v7 =	vand.u32 $0xFFFFFFF8, v30  }
0xe9: {  	v22 =	vmul.f32 v5, v22;
	v33 =	vadd.s32 v11, v7;
	v19 =	vmul.f32 v9, v19  }
0xea: {  	v34 =	vadd.s32 $0x3, v10;
	v35 =	vadd.s32 $0x7, v10;
	v32 =	vadd.s32 v11, v32  }
0xeb: {  	v7 =	vmul.f32 v13, v15;
	v15 =	vmul.f32 v28, v6;
	v13 =	vadd.f32 v22, v19  }
0xec: {  	v8 =	vshll.u32 v8, $0x3;
	v14 =	vand.u32 $0x7, v14;
	v16 =	vand.u32 $0x7, v16  }
0xed: {  	v14 =	vor.u32 v14, v17;
	v12 =	vmul.f32 v12, v7;
	v13 =	vadd.f32 v15, v13  }
0xee: {  	v17 =	vand.u32 $0xFFFFFFF8, v35;
	v15 =	vor.u32 v16, v20;
	v16 =	vand.u32 $0xFFFFFFF8, v34  }
0xef: {  	v16 =	vadd.s32 v11, v16;
	v12 =	vadd.f32 v12, v13;
	v13 =	vand.u32 $0x7, v18  }
0xf0: {  	v17 =	vadd.s32 v11, v17;
	v18 =	vadd.s32 $0x13, v10;
	v13 =	vor.u32 v13, v23  }
0xf1: {  	v10 =	vadd.s32 $0x17, v10;
	v19 =	vand.u32 $0xFFFFFFF8, v18;
	[tilespmem:v8+s20+$0x0] =	vst.idx.msk $0xffff, v12;
	v12 =	vand.u32 $0x7, v21  }
0xf2: {  	v20 =	vand.u32 $0xFFFFFFF8, v10;
	v19 =	vadd.s32 v11, v19;
	v14 =	vld.idx.msk [tilespmem:v14+s11+$0x0], $0xffff;
	v12 =	vor.u32 v12, v25  }
0xf3: {  	v11 =	vadd.s32 v11, v20;
	v15 =	vld.idx.msk [tilespmem:v15+s11+$0x0], $0xffff;
	_ =	sdelay $0x1  }
0xf4: {  	v13 =	vld.idx.msk [tilespmem:v13+s11+$0x0], $0xffff;
	_ =	sdelay $0x1  }
0xf5: {  	v12 =	vld.idx.msk [tilespmem:v12+s11+$0x0], $0xffff  }
0xf6: {  	v14 =	vmul.f32 v14, v9  }
0xf7: {  	v15 =	vmul.f32 v15, v5;
	_ =	sdelay $0x1  }
0xf8: {  	v14 =	vadd.f32 v15, v14;
	v13 =	vmul.f32 v13, v6  }
0xf9: {  	v20 =	vand.u32 $0x7, v24;
	v21 =	vand.u32 $0x7, v26;
	v15 =	vor.u32 $0x1, v8  }
0xfa: {  	v13 =	vadd.f32 v13, v14;
	v12 =	vmul.f32 v12, v7;
	v14 =	vor.u32 v20, v29  }
0xfb: {  	v20 =	vor.u32 v21, v27  }
0xfc: {  	v12 =	vadd.f32 v12, v13;
	v13 =	vand.u32 $0x7, v30  }
0xfd: {  	v13 =	vor.u32 v13, v33  }
0xfe: {  	[tilespmem:v15+s20+$0x0] =	vst.idx.msk $0xffff, v12;
	v12 =	vand.u32 $0x7, v31  }
0xff: {  	v14 =	vld.idx.msk [tilespmem:v14+s11+$0x0], $0xffff;
	v12 =	vor.u32 v12, v32  }
0x100: {  	v15 =	vld.idx.msk [tilespmem:v20+s11+$0x0], $0xffff;
	_ =	sdelay $0x1  }
0x101: {  	v13 =	vld.idx.msk [tilespmem:v13+s11+$0x0], $0xffff;
	_ =	sdelay $0x1  }
0x102: {  	v12 =	vld.idx.msk [tilespmem:v12+s11+$0x0], $0xffff;
	_ =	sdelay $0x1  }
0x103: {  	v14 =	vmul.f32 v14, v9;
	v15 =	vmul.f32 v15, v5;
	_ =	sdelay $0x1  }
0x104: {  	v14 =	vadd.f32 v15, v14;
	v13 =	vmul.f32 v13, v6;
	v15 =	vand.u32 $0x7, v34  }
0x105: {  	v20 =	vor.u32 $0x2, v8;
	v15 =	vor.u32 v15, v16;
	v16 =	vand.u32 $0x7, v35  }
0x106: {  	v13 =	vadd.f32 v13, v14;
	v12 =	vmul.f32 v12, v7;
	v14 =	vor.u32 v16, v17  }
0x107: {  	v16 =	vand.u32 $0x7, v18  }
0x108: {  	v10 =	vand.u32 $0x7, v10;
	v12 =	vadd.f32 v12, v13;
	v13 =	vor.u32 v16, v19  }
0x109: {  	v10 =	vor.u32 v10, v11  }
0x10a: {  	[tilespmem:v20+s20+$0x0] =	vst.idx.msk $0xffff, v12  }
0x10b: {  	v15 =	vld.idx.msk [tilespmem:v15+s11+$0x0], $0xffff  }
0x10c: {  	v12 =	vld.idx.msk [tilespmem:v14+s11+$0x0], $0xffff  }
.Ltmp2:
0x10d: {  	v11 =	vld.idx.msk [tilespmem:v13+s11+$0x0], $0xffff;
	(pc) =	sbr.rel @p0 .LBB2_7-.Ltmp2, $2  }
0x10e: {  	v10 =	vld.idx.msk [tilespmem:v10+s11+$0x0], $0xffff;
	_ =	sdelay $0x2  }
0x10f: {  	v9 =	vmul.f32 v15, v9  }
0x110: {  	v5 =	vmul.f32 v12, v5;
	_ =	sdelay $0x1  }
0x111: {  	v6 =	vmul.f32 v11, v6;
	v5 =	vadd.f32 v5, v9  }
0x112: {  	v8 =	vor.u32 $0x3, v8  }
0x113: {  	v7 =	vmul.f32 v10, v7;
	v5 =	vadd.f32 v6, v5;
	_ =	sdelay $0x1  }
0x114: {  	v5 =	vadd.f32 v7, v5;
	_ =	sdelay $0x1  }
0x115: {  	s0 =	sadd.s32 s5, s26;
	s3 =	simm.s32 $0x0;
	[tilespmem:v8+s20+$0x0] =	vst.idx.msk $0xffff, v5  }
0x116: {  	[hbm4b:s0+s3] =	stream.linear.scatter [tilespmem:s20], [sflag:$0x3], $0x2000, $0x38;
	[tilespmem:$0x17000] =	vst v63  }
0x117: {  	_ =	swait.ge [sflag:s8], $0x2000  }
0x118: {  	[sflag:s8] =	ssyncset.done $0x0  }
0x119: {  	[sflag:s8] =	ssyncadd.s32 $0xFFFFE000  }
0x11a: {  	_ =	swait.ge [sflag:s21], $0x4000  }
0x11b: {  	[sflag:s21] =	ssyncset.done $0x0  }
0x11c: {  	[sflag:s21] =	ssyncadd.s32 $0xFFFFC000  }
0x11d: {  	_ =	swait.ge [sflag:s21], $0x4000  }
0x11e: {  	[sflag:s21] =	ssyncset.done $0x0  }
0x11f: {  	s26 =	simm.s32 $0xC400;
	[sflag:s21] =	ssyncadd.s32 $0xFFFFC000  }
0x120: {  	v9 =	vld [tilespmem:s26+$0x0];
	_ =	sdelay $0x3  }
0x121: {  	v8 =	vor.u32 s3, v0  }
0x122: {  	v10 =	vshll.u32 v8, $0x5;
	v5 =	vand.u32 $0xFFFFFFF8, v9;
	v6 =	vadd.s32 $0x4, v9  }
0x123: {  	v7 =	vand.u32 $0x7, v9;
	v5 =	vadd.s32 v10, v5;
	v11 =	vand.u32 $0xFFFFFFF8, v6  }
0x124: {  	s29 =	simm.s32 $0xC800;
	v6 =	vand.u32 $0x7, v6;
	v5 =	vor.u32 v7, v5;
	v7 =	vadd.s32 v10, v11  }
0x125: {  	s28 =	simm.s32 $0xCC00;
	v12 =	vld [tilespmem:s29+$0x0];
	v6 =	vor.u32 v6, v7  }
0x126: {  	v11 =	vadd.s32 $0x14, v9;
	v7 =	vld [tilespmem:s28+$0x0]  }
0x127: {  	v13 =	vadd.s32 $0x10, v5;
	v14 =	vand.u32 $0xFFFFFFF8, v11  }
0x128: {  	v11 =	vand.u32 $0x7, v11;
	v14 =	vadd.s32 v10, v14  }
0x129: {  	v11 =	vor.u32 v11, v14;
	v14 =	vld.idx.msk [tilespmem:v5+s16+$0x0], $0xffff  }
0x12a: {  	v15 =	vld.idx.msk [tilespmem:v6+s16+$0x0], $0xffff  }
0x12b: {  	v6 =	vsub.f32 $1.000000000e+00, v12;
	v5 =	vsub.f32 $1.000000000e+00, v7  }
0x12c: {  	v13 =	vld.idx.msk [tilespmem:v13+s16+$0x0], $0xffff  }
0x12d: {  	v8 =	vshll.u32 v8, $0x3;
	v17 =	vmul.f32 v5, v6;
	v5 =	vmul.f32 v5, v12  }
0x12e: {  	v16 =	vadd.s32 $0x1, v9;
	v19 =	vadd.s32 $0x5, v9;
	v11 =	vld.idx.msk [tilespmem:v11+s16+$0x0], $0xffff;
	v6 =	vmul.f32 v7, v6  }
0x12f: {  	v18 =	vand.u32 $0xFFFFFFF8, v16;
	v14 =	vmul.f32 v17, v14;
	v15 =	vmul.f32 v5, v15  }
0x130: {  	v21 =	vadd.s32 $0x11, v9;
	v20 =	vand.u32 $0xFFFFFFF8, v19;
	v18 =	vadd.s32 v10, v18  }
0x131: {  	v7 =	vmul.f32 v7, v12;
	v13 =	vmul.f32 v13, v6;
	v12 =	vadd.f32 v15, v14  }
0x132: {  	v20 =	vadd.s32 v10, v20;
	v14 =	vand.u32 $0x7, v16;
	v15 =	vand.u32 $0x7, v19  }
0x133: {  	v11 =	vmul.f32 v11, v7;
	v12 =	vadd.f32 v13, v12;
	v13 =	vor.u32 v14, v18  }
0x134: {  	v50 =	vadd.s32 $0x15, v9;
	v15 =	vor.u32 v15, v20;
	v14 =	vand.u32 $0xFFFFFFF8, v21  }
0x135: {  	v14 =	vadd.s32 v10, v14;
	v11 =	vadd.f32 v11, v12;
	v12 =	vand.u32 $0x7, v21  }
0x136: {  	v51 =	vand.u32 $0xFFFFFFF8, v50;
	v12 =	vor.u32 v12, v14  }
0x137: {  	v14 =	vadd.s32 v10, v51;
	[tilespmem:v8+s22+$0x0] =	vst.idx.msk $0xffff, v11;
	v11 =	vand.u32 $0x7, v50  }
0x138: {  	v13 =	vld.idx.msk [tilespmem:v13+s16+$0x0], $0xffff;
	v11 =	vor.u32 v11, v14  }
0x139: {  	v14 =	vld.idx.msk [tilespmem:v15+s16+$0x0], $0xffff;
	_ =	sdelay $0x1  }
0x13a: {  	v12 =	vld.idx.msk [tilespmem:v12+s16+$0x0], $0xffff;
	_ =	sdelay $0x1  }
0x13b: {  	v53 =	vadd.s32 $0x6, v9;
	v55 =	vadd.s32 $0x12, v9;
	v11 =	vld.idx.msk [tilespmem:v11+s16+$0x0], $0xffff  }
0x13c: {  	v54 =	vand.u32 $0xFFFFFFF8, v53;
	v13 =	vmul.f32 v13, v17;
	v14 =	vmul.f32 v14, v5  }
0x13d: {  	v19 =	vadd.s32 v10, v54;
	v18 =	vand.u32 $0x7, v53;
	v15 =	vadd.s32 $0x2, v9  }
0x13e: {  	v52 =	vand.u32 $0xFFFFFFF8, v15;
	v13 =	vadd.f32 v14, v13;
	v12 =	vmul.f32 v12, v6  }
0x13f: {  	v15 =	vand.u32 $0x7, v15;
	v16 =	vadd.s32 v10, v52;
	v14 =	vor.u32 $0x1, v8  }
0x140: {  	v12 =	vadd.f32 v12, v13;
	v11 =	vmul.f32 v11, v7;
	v13 =	vor.u32 v15, v16  }
0x141: {  	v56 =	vand.u32 $0xFFFFFFF8, v55;
	v18 =	vor.u32 v18, v19;
	v15 =	vadd.s32 $0x16, v9  }
0x142: {  	v16 =	vadd.s32 v10, v56;
	v11 =	vadd.f32 v11, v12;
	v12 =	vand.u32 $0x7, v55  }
0x143: {  	v57 =	vand.u32 $0xFFFFFFF8, v15;
	v12 =	vor.u32 v12, v16  }
0x144: {  	v58 =	vadd.s32 v10, v57;
	[tilespmem:v14+s22+$0x0] =	vst.idx.msk $0xffff, v11;
	v11 =	vand.u32 $0x7, v15  }
0x145: {  	v13 =	vld.idx.msk [tilespmem:v13+s16+$0x0], $0xffff;
	v11 =	vor.u32 v11, v58  }
0x146: {  	v14 =	vld.idx.msk [tilespmem:v18+s16+$0x0], $0xffff;
	_ =	sdelay $0x1  }
0x147: {  	v12 =	vld.idx.msk [tilespmem:v12+s16+$0x0], $0xffff  }
0x148: {  	v59 =	vadd.s32 $0x7, v9  }
0x149: {  	v62 =	vor.u32 $0x2, v8;
	v61 =	vand.u32 $0xFFFFFFF8, v59;
	v15 =	vadd.s32 $0x3, v9;
	v11 =	vld.idx.msk [tilespmem:v11+s16+$0x0], $0xffff  }
0x14a: {  	v60 =	vand.u32 $0xFFFFFFF8, v15;
	v13 =	vmul.f32 v13, v17;
	v14 =	vmul.f32 v14, v5  }
0x14b: {  	v16 =	vand.u32 $0x7, v59;
	v15 =	vand.u32 $0x7, v15;
	v18 =	vadd.s32 v10, v60  }
0x14c: {  	v13 =	vadd.f32 v14, v13;
	v14 =	vadd.s32 $0x13, v9;
	v12 =	vmul.f32 v12, v6  }
0x14d: {  	v15 =	vor.u32 v15, v18;
	v9 =	vadd.s32 $0x17, v9;
	v63 =	vand.u32 $0xFFFFFFF8, v14  }
0x14e: {  	v12 =	vadd.f32 v12, v13;
	v11 =	vmul.f32 v11, v7;
	v13 =	vadd.s32 v10, v61  }
0x14f: {  	v14 =	vand.u32 $0x7, v14;
	v18 =	vadd.s32 v10, v63;
	v13 =	vor.u32 v16, v13  }
0x150: {  	v14 =	vor.u32 v14, v18;
	v11 =	vadd.f32 v11, v12;
	v12 =	vand.u32 $0xFFFFFFF8, v9  }
0x151: {  	v9 =	vand.u32 $0x7, v9;
	v10 =	vadd.s32 v10, v12  }
0x152: {  	[tilespmem:v62+s22+$0x0] =	vst.idx.msk $0xffff, v11;
	v9 =	vor.u32 v9, v10  }
0x153: {  	v15 =	vld.idx.msk [tilespmem:v15+s16+$0x0], $0xffff  }
0x154: {  	v12 =	vld.idx.msk [tilespmem:v13+s16+$0x0], $0xffff  }
0x155: {  	v11 =	vld.idx.msk [tilespmem:v14+s16+$0x0], $0xffff;
	_ =	sdelay $0x1  }
0x156: {  	v10 =	vld.idx.msk [tilespmem:v9+s16+$0x0], $0xffff  }
0x157: {  	s30 =	simm.s32 $0x10;
	v9 =	vmul.f32 v15, v17  }
.LBB2_9:
0x158: {  	v5 =	vmul.f32 v12, v5;
	s26 =	sadd.s32 $0x10, s26;
	s29 =	sadd.s32 $0x10, s29;
	s28 =	sadd.s32 $0x10, s28  }
0x159: {  	p0 =	sne.s32 s30, $0x3F0;
	v6 =	vmul.f32 v11, v6;
	s0 =	smov.u32 s30;
	s30 =	sadd.s32 $0x10, s30  }
0x15a: {  	v8 =	vor.u32 $0x3, v8;
	v5 =	vadd.f32 v5, v9  }
0x15b: {  	v7 =	vmul.f32 v10, v7  }
0x15c: {  	v5 =	vadd.f32 v6, v5;
	_ =	sdelay $0x1  }
0x15d: {  	v5 =	vadd.f32 v7, v5;
	_ =	sdelay $0x1  }
0x15e: {  	[tilespmem:v8+s22+$0x0] =	vst.idx.msk $0xffff, v5  }
0x15f: {  	v8 =	vor.u32 s0, v0;
	v10 =	vld [tilespmem:s26+$0x0];
	_ =	sdelay $0x1  }
0x160: {  	v11 =	vshll.u32 v8, $0x5;
	_ =	sdelay $0x2  }
0x161: {  	v5 =	vand.u32 $0xFFFFFFF8, v10;
	v6 =	vand.u32 $0x7, v10;
	v7 =	vadd.s32 $0x4, v10  }
0x162: {  	v5 =	vadd.s32 v11, v5;
	v9 =	vand.u32 $0xFFFFFFF8, v7;
	v7 =	vand.u32 $0x7, v7  }
0x163: {  	v5 =	vor.u32 v6, v5;
	v6 =	vadd.s32 v11, v9;
	v9 =	vadd.s32 $0x14, v10  }
0x164: {  	v6 =	vor.u32 v7, v6;
	v7 =	vadd.s32 $0x10, v5;
	v12 =	vand.u32 $0xFFFFFFF8, v9  }
0x165: {  	v14 =	vadd.s32 $0x1, v10;
	v9 =	vand.u32 $0x7, v9;
	v13 =	vld [tilespmem:s28+$0x0];
	v12 =	vadd.s32 v11, v12  }
0x166: {  	v16 =	vadd.s32 $0x5, v10;
	v15 =	vld [tilespmem:s29+$0x0];
	v12 =	vor.u32 v9, v12;
	v9 =	vand.u32 $0xFFFFFFF8, v14  }
0x167: {  	v18 =	vadd.s32 $0x11, v10;
	v17 =	vadd.s32 v11, v9;
	v9 =	vand.u32 $0xFFFFFFF8, v16  }
0x168: {  	v21 =	vadd.s32 $0x15, v10;
	v19 =	vld.idx.msk [tilespmem:v5+s16+$0x0], $0xffff;
	v20 =	vadd.s32 v11, v9;
	v5 =	vand.u32 $0xFFFFFFF8, v18  }
0x169: {  	v24 =	vadd.s32 $0x2, v10;
	v22 =	vld.idx.msk [tilespmem:v6+s16+$0x0], $0xffff;
	v23 =	vadd.s32 v11, v5;
	v5 =	vand.u32 $0xFFFFFFF8, v21  }
0x16a: {  	v26 =	vadd.s32 $0x6, v10;
	v25 =	vadd.s32 v11, v5;
	v5 =	vand.u32 $0xFFFFFFF8, v24  }
0x16b: {  	v27 =	vsub.f32 $1.000000000e+00, v13;
	v6 =	vsub.f32 $1.000000000e+00, v15;
	v28 =	vld.idx.msk [tilespmem:v7+s16+$0x0], $0xffff;
	v29 =	vadd.s32 v11, v5  }
0x16c: {  	v30 =	vadd.s32 $0x12, v10;
	v31 =	vadd.s32 $0x16, v10;
	v7 =	vand.u32 $0xFFFFFFF8, v26  }
0x16d: {  	v5 =	vmul.f32 v27, v15;
	v9 =	vmul.f32 v27, v6;
	v12 =	vld.idx.msk [tilespmem:v12+s16+$0x0], $0xffff;
	v27 =	vadd.s32 v11, v7  }
0x16e: {  	v32 =	vand.u32 $0xFFFFFFF8, v31;
	v6 =	vmul.f32 v13, v6;
	v7 =	vand.u32 $0xFFFFFFF8, v30  }
0x16f: {  	v22 =	vmul.f32 v5, v22;
	v33 =	vadd.s32 v11, v7;
	v19 =	vmul.f32 v9, v19  }
0x170: {  	v34 =	vadd.s32 $0x3, v10;
	v35 =	vadd.s32 $0x7, v10;
	v32 =	vadd.s32 v11, v32  }
0x171: {  	v7 =	vmul.f32 v13, v15;
	v15 =	vmul.f32 v28, v6;
	v13 =	vadd.f32 v22, v19  }
0x172: {  	v8 =	vshll.u32 v8, $0x3;
	v14 =	vand.u32 $0x7, v14;
	v16 =	vand.u32 $0x7, v16  }
0x173: {  	v14 =	vor.u32 v14, v17;
	v12 =	vmul.f32 v12, v7;
	v13 =	vadd.f32 v15, v13  }
0x174: {  	v17 =	vand.u32 $0xFFFFFFF8, v35;
	v15 =	vor.u32 v16, v20;
	v16 =	vand.u32 $0xFFFFFFF8, v34  }
0x175: {  	v16 =	vadd.s32 v11, v16;
	v12 =	vadd.f32 v12, v13;
	v13 =	vand.u32 $0x7, v18  }
0x176: {  	v17 =	vadd.s32 v11, v17;
	v18 =	vadd.s32 $0x13, v10;
	v13 =	vor.u32 v13, v23  }
0x177: {  	v10 =	vadd.s32 $0x17, v10;
	v19 =	vand.u32 $0xFFFFFFF8, v18;
	[tilespmem:v8+s22+$0x0] =	vst.idx.msk $0xffff, v12;
	v12 =	vand.u32 $0x7, v21  }
0x178: {  	v20 =	vand.u32 $0xFFFFFFF8, v10;
	v19 =	vadd.s32 v11, v19;
	v14 =	vld.idx.msk [tilespmem:v14+s16+$0x0], $0xffff;
	v12 =	vor.u32 v12, v25  }
0x179: {  	v11 =	vadd.s32 v11, v20;
	v15 =	vld.idx.msk [tilespmem:v15+s16+$0x0], $0xffff;
	_ =	sdelay $0x1  }
0x17a: {  	v13 =	vld.idx.msk [tilespmem:v13+s16+$0x0], $0xffff;
	_ =	sdelay $0x1  }
0x17b: {  	v12 =	vld.idx.msk [tilespmem:v12+s16+$0x0], $0xffff  }
0x17c: {  	v14 =	vmul.f32 v14, v9  }
0x17d: {  	v15 =	vmul.f32 v15, v5;
	_ =	sdelay $0x1  }
0x17e: {  	v14 =	vadd.f32 v15, v14;
	v13 =	vmul.f32 v13, v6  }
0x17f: {  	v20 =	vand.u32 $0x7, v24;
	v21 =	vand.u32 $0x7, v26;
	v15 =	vor.u32 $0x1, v8  }
0x180: {  	v13 =	vadd.f32 v13, v14;
	v12 =	vmul.f32 v12, v7;
	v14 =	vor.u32 v20, v29  }
0x181: {  	v20 =	vor.u32 v21, v27  }
0x182: {  	v12 =	vadd.f32 v12, v13;
	v13 =	vand.u32 $0x7, v30  }
0x183: {  	v13 =	vor.u32 v13, v33  }
0x184: {  	[tilespmem:v15+s22+$0x0] =	vst.idx.msk $0xffff, v12;
	v12 =	vand.u32 $0x7, v31  }
0x185: {  	v14 =	vld.idx.msk [tilespmem:v14+s16+$0x0], $0xffff;
	v12 =	vor.u32 v12, v32  }
0x186: {  	v15 =	vld.idx.msk [tilespmem:v20+s16+$0x0], $0xffff;
	_ =	sdelay $0x1  }
0x187: {  	v13 =	vld.idx.msk [tilespmem:v13+s16+$0x0], $0xffff;
	_ =	sdelay $0x1  }
0x188: {  	v12 =	vld.idx.msk [tilespmem:v12+s16+$0x0], $0xffff;
	_ =	sdelay $0x1  }
0x189: {  	v14 =	vmul.f32 v14, v9;
	v15 =	vmul.f32 v15, v5;
	_ =	sdelay $0x1  }
0x18a: {  	v14 =	vadd.f32 v15, v14;
	v13 =	vmul.f32 v13, v6;
	v15 =	vand.u32 $0x7, v34  }
0x18b: {  	v20 =	vor.u32 $0x2, v8;
	v15 =	vor.u32 v15, v16;
	v16 =	vand.u32 $0x7, v35  }
0x18c: {  	v13 =	vadd.f32 v13, v14;
	v12 =	vmul.f32 v12, v7;
	v14 =	vor.u32 v16, v17  }
0x18d: {  	v16 =	vand.u32 $0x7, v18  }
0x18e: {  	v10 =	vand.u32 $0x7, v10;
	v12 =	vadd.f32 v12, v13;
	v13 =	vor.u32 v16, v19  }
0x18f: {  	v10 =	vor.u32 v10, v11  }
0x190: {  	[tilespmem:v20+s22+$0x0] =	vst.idx.msk $0xffff, v12  }
0x191: {  	v15 =	vld.idx.msk [tilespmem:v15+s16+$0x0], $0xffff  }
0x192: {  	v12 =	vld.idx.msk [tilespmem:v14+s16+$0x0], $0xffff  }
.Ltmp3:
0x193: {  	v11 =	vld.idx.msk [tilespmem:v13+s16+$0x0], $0xffff;
	(pc) =	sbr.rel @p0 .LBB2_9-.Ltmp3, $2  }
0x194: {  	v10 =	vld.idx.msk [tilespmem:v10+s16+$0x0], $0xffff;
	_ =	sdelay $0x2  }
0x195: {  	v9 =	vmul.f32 v15, v9  }
0x196: {  	v5 =	vmul.f32 v12, v5;
	_ =	sdelay $0x1  }
0x197: {  	v6 =	vmul.f32 v11, v6;
	v5 =	vadd.f32 v5, v9  }
0x198: {  	v8 =	vor.u32 $0x3, v8  }
0x199: {  	v7 =	vmul.f32 v10, v7;
	v5 =	vadd.f32 v6, v5;
	_ =	sdelay $0x1  }
0x19a: {  	s24 =	sadd.s32 $0x1, s24;
	v5 =	vadd.f32 v7, v5  }
0x19b: {  	p0 =	sne.s32 s24, $0x10  }
.Ltmp4:
0x19c: {  	s0 =	sadd.s32 s5, s25;
	[tilespmem:v8+s22+$0x0] =	vst.idx.msk $0xffff, v5;
	(pc) =	sbr.rel @p0 .LBB2_2-.Ltmp4, $4  }
0x19d: {  	[hbm4b:s0+s2] =	stream.linear.scatter [tilespmem:s22], [sflag:$0x3], $0x2000, $0x38;
	[tilespmem:$0x17000] =	vst v63  }
0x19e: {  	_ =	swait.ge [sflag:s8], $0x2000  }
0x19f: {  	[sflag:s8] =	ssyncset.done $0x0  }
0x1a0: {  	[sflag:s8] =	ssyncadd.s32 $0xFFFFE000  }
0x1a1: {  	s3 =	rddreg [dreg:$0x4]  }
0x1a2: {  	s0 =	rddreg [dreg:$0x3];
	s3 =	sadd.s32 $0x1, s3  }
0x1a3: {  	p0 =	sne.s32 s3, s0  }
.Ltmp5:
0x1a4: {  	_ = 	snop;
	(pc) =	sbr.rel @p0 .LBB2_1-.Ltmp5, $1  }
0x1a5: {  	_ =	sdelay $0x3  }
0x1a6: {  	_ =	sfence.sel $0x180000  }
0x1a7: {  	[bflag:$0x0] =	sbarrier.arrive $0xFFFF  }
0x1a8: {  	_ =	strace $0x90000047  }
0x1a9: {  	s0 =	stileid.u32;
	[bflag:$0x2] =	sbarrier.arrive $0xFFFF  }
0x1aa: {  	p0 =	sne.s32 s0, $0x0;
	s0 =	rddreg [dreg:$0x2]  }
0x1ab: {  	s0 =	sadd.s32 @!p0 $0x100000, s0  }
0x1ac: {  	[sflag:s0] =	ssyncadd.tile.s32 @!p0 $0x1;
	_ =	shalt  }
.Lfunc_end2:
_tile_overlayer_lowered:
.L_overlay_start_2:
0x1ad: {  	(tag) =	ssettag $0x2  }
0x1ae: {  	s0 =	rddreg [dreg:$0x0];
	s2 =	stileid.u32  }
0x1af: {  	s1 =	rddreg [dreg:$0x1];
	p0 =	sne.s32 s2, $0x0  }
0x1b0: {  	s3 =	rddreg [dreg:$0x2];
	[bflag:$0x3] =	sbarrier.arrive $0xFFFF;
	s2 =	simm.s32 @!p0 $0x1C03  }
0x1b1: {  	[timem:s3], [sflag:s2] =	dma.local @!p0 [hbm:s0], s1  }
0x1b2: {  	s0 =	simm.s32 @!p0 $0x3  }
0x1b3: {  	_ =	swait.ge @!p0 [sflag:s0], s1  }
0x1b4: {  	s1 =	ssub.s32 @!p0 $0x0, s1;
	[sflag:s0] =	ssyncset.done @!p0 $0x0  }
0x1b5: {  	[sflag:s0] =	ssyncadd.s32 @!p0 s1  }
0x1b6: {  	[bflag:$0x3] =	sbarrier.arrive $0xFFFF  }
0x1b7: {  	_ =	shalt  }

</sc_bundles>
